<compile_context>
chip_gen: v7x
topology: tpu7x:2x2x1
jax: 0.10.2.dev20260603
libtpu: 0.0.44.dev20260713+nightly
codegen_flags: <defaults>
</compile_context>

<pallas_src>
import functools

import jax
import jax.numpy as jnp
from jax import lax
from jax.experimental import pallas as pl
from jax.experimental.pallas import tpu as pltpu
from jax.experimental.pallas import tpu_sc as plsc

N = 10000
E = 320000
DH = 128
G = 64
OUT = 2

_NC = 2
_NS = 16
_CH = 80
_EC = E // _CH
_ECD = _EC // _NS
_CHA = 100
_ECA = E // _CHA
_ECT = _ECA // (_NC * _NS)
_NPT = 624
_TAIL = N - _NS * _NPT

_BS = 5000
_NB = N // _BS



@functools.cache
def _sc_build():
    mesh = plsc.VectorSubcoreMesh(core_axis_name="c", subcore_axis_name="s")

    @functools.partial(
        pl.kernel,
        out_type=(jax.ShapeDtypeStruct((N,), jnp.float32),
                  jax.ShapeDtypeStruct((N,), jnp.float32)),
        mesh=mesh,
        compiler_params=pltpu.CompilerParams(use_tc_tiling_on_sc=False),
        scratch_types=[
            pltpu.VMEM((_ECD, _CH), jnp.int32),
            pltpu.VMEM((_CH,), jnp.float32),
            pltpu.SemaphoreType.DMA,
            pltpu.VMEM_SHARED((N,), jnp.float32),
        ],
    )
    def _deg_kernel(ei3, zeros1d, ones_h, do_out, di_out, idxbuf,
                    ones_v, sem, hist_sh):
        c = lax.axis_index("c")
        s = lax.axis_index("s")
        pltpu.sync_copy(ones_h, ones_v)
        r0 = s * _NPT
        pltpu.sync_copy(zeros1d.at[pl.ds(r0, _NPT)], hist_sh.at[pl.ds(r0, _NPT)])

        @pl.when(s == _NS - 1)
        def _():
            pltpu.sync_copy(zeros1d.at[pl.ds(_NS * _NPT, _TAIL)],
                            hist_sh.at[pl.ds(_NS * _NPT, _TAIL)])

        base = s * _ECD

        @pl.when(c == 0)
        def _():
            pltpu.sync_copy(ei3.at[0, pl.ds(base, _ECD)], idxbuf)

        @pl.when(c == 1)
        def _():
            pltpu.sync_copy(ei3.at[1, pl.ds(base, _ECD)], idxbuf)

        plsc.subcore_barrier()

        def step(j, carry):
            pltpu.async_copy(ones_v, hist_sh.at[idxbuf.at[j]], sem, add=True)

            @pl.when(j >= 10)
            def _():
                pltpu.make_async_copy(ones_h, ones_v, sem).wait()

            return carry

        lax.fori_loop(0, _ECD, step, 0)

        def drain(j, carry):
            pltpu.make_async_copy(ones_h, ones_v, sem).wait()
            return carry

        lax.fori_loop(0, 10, drain, 0)
        plsc.subcore_barrier()

        @pl.when(c == 0)
        def _():
            pltpu.sync_copy(hist_sh.at[pl.ds(r0, _NPT)], do_out.at[pl.ds(r0, _NPT)])

        @pl.when(c == 1)
        def _():
            pltpu.sync_copy(hist_sh.at[pl.ds(r0, _NPT)], di_out.at[pl.ds(r0, _NPT)])

        @pl.when((c == 0) & (s == _NS - 1))
        def _():
            pltpu.sync_copy(hist_sh.at[pl.ds(_NS * _NPT, _TAIL)],
                            do_out.at[pl.ds(_NS * _NPT, _TAIL)])

        @pl.when((c == 1) & (s == _NS - 1))
        def _():
            pltpu.sync_copy(hist_sh.at[pl.ds(_NS * _NPT, _TAIL)],
                            di_out.at[pl.ds(_NS * _NPT, _TAIL)])

    @functools.partial(
        pl.kernel,
        out_type=jax.ShapeDtypeStruct((_NC * N, DH), jnp.float32),
        mesh=mesh,
        compiler_params=pltpu.CompilerParams(use_tc_tiling_on_sc=False),
        scratch_types=[
            pltpu.VMEM((_ECT, _CHA), jnp.int32),
            pltpu.VMEM((_ECT, _CHA), jnp.int32),
            pltpu.VMEM((_CHA, DH), jnp.float32),
            pltpu.VMEM((_CHA, DH), jnp.float32),
            pltpu.SemaphoreType.DMA,
            pltpu.SemaphoreType.DMA,
            pltpu.SemaphoreType.DMA,
            pltpu.SemaphoreType.DMA,
            pltpu.VMEM_SHARED((N, DH), jnp.float32),
        ],
    )
    def _agg_kernel(y, ei3, zeros2d, out, sbuf, dbuf, rows_a, rows_b,
                    sem_a, sem_b, sem_sa, sem_sb, acc_sh):
        c = lax.axis_index("c")
        s = lax.axis_index("s")
        r0 = s * _NPT
        pltpu.sync_copy(zeros2d.at[pl.ds(r0, _NPT)], acc_sh.at[pl.ds(r0, _NPT)])

        @pl.when(s == _NS - 1)
        def _():
            pltpu.sync_copy(zeros2d.at[pl.ds(_NS * _NPT, _TAIL)],
                            acc_sh.at[pl.ds(_NS * _NPT, _TAIL)])

        tb = (c * _NS + s) * _ECT
        pltpu.sync_copy(ei3.at[0, pl.ds(tb, _ECT)], sbuf)
        pltpu.sync_copy(ei3.at[1, pl.ds(tb, _ECT)], dbuf)
        pltpu.async_copy(y.at[sbuf.at[0]], rows_a, sem_a)
        pltpu.async_copy(y.at[sbuf.at[1]], rows_b, sem_b)
        plsc.subcore_barrier()

        def step(t, carry):
            pltpu.make_async_copy(y.at[sbuf.at[2 * t]], rows_a, sem_a).wait()
            pltpu.sync_copy(rows_a, acc_sh.at[dbuf.at[2 * t]], add=True)

            @pl.when(t < _ECT // 2 - 1)
            def _():
                pltpu.async_copy(y.at[sbuf.at[2 * t + 2]], rows_a, sem_a)

            pltpu.make_async_copy(y.at[sbuf.at[2 * t + 1]], rows_b, sem_b).wait()
            pltpu.sync_copy(rows_b, acc_sh.at[dbuf.at[2 * t + 1]], add=True)

            @pl.when(t < _ECT // 2 - 1)
            def _():
                pltpu.async_copy(y.at[sbuf.at[2 * t + 3]], rows_b, sem_b)

            return carry

        lax.fori_loop(0, _ECT // 2, step, 0)
        plsc.subcore_barrier()
        pltpu.sync_copy(acc_sh.at[pl.ds(r0, _NPT)], out.at[pl.ds(c * N + r0, _NPT)])

        @pl.when(s == _NS - 1)
        def _():
            pltpu.sync_copy(acc_sh.at[pl.ds(_NS * _NPT, _TAIL)],
                            out.at[pl.ds(c * N + _NS * _NPT, _TAIL)])

    return _deg_kernel, _agg_kernel


def _sc_degrees(ei3, zeros1d, ones_h):
    return _sc_build()[0](ei3, zeros1d, ones_h)


def _sc_agg(y, ei3, zeros2d):
    return _sc_build()[1](y, ei3, zeros2d)



def _mm1_body(x_ref, do_ref, w_ref, o_ref):
    scale = lax.rsqrt(jnp.maximum(do_ref[...], 1.0))
    o_ref[...] = jnp.dot(x_ref[...] * scale, w_ref[...],
                         preferred_element_type=jnp.float32)


def _tc_mm1(x, do2, W1):
    return pl.pallas_call(
        _mm1_body,
        grid=(_NB,),
        in_specs=[
            pl.BlockSpec((_BS, DH), lambda i: (i, 0)),
            pl.BlockSpec((_BS, 1), lambda i: (i, 0)),
            pl.BlockSpec((DH, DH), lambda i: (0, 0)),
        ],
        out_specs=pl.BlockSpec((_BS, DH), lambda i: (i, 0)),
        out_shape=jax.ShapeDtypeStruct((N, DH), jnp.float32),
    )(x, do2, W1)


def _mid_body(q0_ref, q1_ref, di_ref, do_ref, b_ref, w_ref, o_ref):
    agg = q0_ref[...] + q1_ref[...]
    di = lax.rsqrt(jnp.maximum(di_ref[...], 1.0))
    h = jnp.maximum(agg * di + b_ref[...], 0.0)
    do = lax.rsqrt(jnp.maximum(do_ref[...], 1.0))
    o_ref[...] = jnp.dot(h * do, w_ref[...], preferred_element_type=jnp.float32)


def _tc_mid(q, di2, do2, b1, W2):
    return pl.pallas_call(
        _mid_body,
        grid=(_NB,),
        in_specs=[
            pl.BlockSpec((_BS, DH), lambda i: (i, 0)),
            pl.BlockSpec((_BS, DH), lambda i: (i + N // _BS, 0)),
            pl.BlockSpec((_BS, 1), lambda i: (i, 0)),
            pl.BlockSpec((_BS, 1), lambda i: (i, 0)),
            pl.BlockSpec((1, DH), lambda i: (0, 0)),
            pl.BlockSpec((DH, DH), lambda i: (0, 0)),
        ],
        out_specs=pl.BlockSpec((_BS, DH), lambda i: (i, 0)),
        out_shape=jax.ShapeDtypeStruct((N, DH), jnp.float32),
    )(q, q, di2, do2, b1, W2)


def _fin_body(q0_ref, q1_ref, di_ref, b_ref, wf_ref, bf_ref, g_ref, o_ref,
              acc_s, acc_c):
    i = pl.program_id(0)
    agg = q0_ref[...] + q1_ref[...]
    di = lax.rsqrt(jnp.maximum(di_ref[...], 1.0))
    h = jnp.maximum(agg * di + b_ref[...], 0.0)
    logits = jnp.dot(h, wf_ref[...], preferred_element_type=jnp.float32) + bf_ref[...]
    m = jnp.max(logits, axis=1, keepdims=True)
    e = jnp.exp(logits - m)
    p = e / jnp.sum(e, axis=1, keepdims=True)
    oh = (g_ref[...] == lax.broadcasted_iota(jnp.int32, (_BS, G), 1)
          ).astype(jnp.float32)
    sums = lax.dot_general(oh, p, (((0,), (0,)), ((), ())),
                           preferred_element_type=jnp.float32)
    cnts = lax.dot_general(oh, jnp.ones((_BS, 1), jnp.float32),
                           (((0,), (0,)), ((), ())),
                           preferred_element_type=jnp.float32)

    @pl.when(i == 0)
    def _():
        acc_s[...] = jnp.zeros_like(acc_s)
        acc_c[...] = jnp.zeros_like(acc_c)

    acc_s[...] += sums
    acc_c[...] += cnts

    @pl.when(i == _NB - 1)
    def _():
        o_ref[...] = acc_s[...] / jnp.maximum(acc_c[...], 1.0)


def _tc_fin(q, di2, b2, Wfc, bfc, gids):
    return pl.pallas_call(
        _fin_body,
        grid=(_NB,),
        in_specs=[
            pl.BlockSpec((_BS, DH), lambda i: (i, 0)),
            pl.BlockSpec((_BS, DH), lambda i: (i + N // _BS, 0)),
            pl.BlockSpec((_BS, 1), lambda i: (i, 0)),
            pl.BlockSpec((1, DH), lambda i: (0, 0)),
            pl.BlockSpec((DH, OUT), lambda i: (0, 0)),
            pl.BlockSpec((1, OUT), lambda i: (0, 0)),
            pl.BlockSpec((_BS, 1), lambda i: (i, 0)),
        ],
        out_specs=pl.BlockSpec((G, OUT), lambda i: (0, 0)),
        out_shape=jax.ShapeDtypeStruct((G, OUT), jnp.float32),
        scratch_shapes=[
            pltpu.VMEM((G, OUT), jnp.float32),
            pltpu.VMEM((G, 1), jnp.float32),
        ],
    )(q, q, di2, b2, Wfc, bfc, gids)



def kernel(x, edge_index, graph_ids, W1, b1, W2, b2, Wfc, bfc):
    ei = edge_index.astype(jnp.int32)
    gids = graph_ids.astype(jnp.int32).reshape(N, 1)
    zeros2d = jnp.zeros((N, DH), jnp.float32)
    zeros1d = jnp.zeros((N,), jnp.float32)
    ones_h = jnp.ones((_CH,), jnp.float32)

    do_, di_ = _sc_degrees(ei.reshape(2, _EC, _CH), zeros1d, ones_h)
    do2 = do_.reshape(N, 1)
    di2 = di_.reshape(N, 1)

    eia = ei.reshape(2, _ECA, _CHA)
    y1 = _tc_mm1(x, do2, W1)
    q1 = _sc_agg(y1, eia, zeros2d)
    y2 = _tc_mid(q1, di2, do2, b1.reshape(1, DH), W2)
    q2 = _sc_agg(y2, eia, zeros2d)
    return _tc_fin(q2, di2, b2.reshape(1, DH), Wfc, bfc.reshape(1, OUT), gids)

# --- scband reference (transcript-rebuilt; emitter-appended) ---
"""Pipeline reference for scband-gcn-4947802325635 (READ-ONLY COPY).

The authoritative reference and input builder live on the scoring server;
editing this copy changes nothing except your own understanding.
"""

import jax, jax.numpy as jnp
import numpy as np

N = 10000
E = 320000
D_IN = 128   # embedding_dim * 4
H1 = 128
H2 = 128
OUT = 2
G = 64       # number of graphs in the batch


def setup_inputs(seed: int = 0) -> dict:
    key = jax.random.key(seed)
    ks = jax.random.split(key, 10)
    x = jax.random.normal(ks[0], (N, D_IN), dtype=jnp.float32)
    edge_index = jax.random.randint(ks[1], (2, E), 0, N, dtype=jnp.int64)
    graph_ids = jnp.sort(jax.random.randint(ks[2], (N,), 0, G, dtype=jnp.int64))
    W1 = jax.random.normal(ks[3], (D_IN, H1), dtype=jnp.float32) / np.sqrt(D_IN)
    b1 = jnp.zeros((H1,), dtype=jnp.float32)
    W2 = jax.random.normal(ks[4], (H1, H2), dtype=jnp.float32) / np.sqrt(H1)
    b2 = jnp.zeros((H2,), dtype=jnp.float32)
    Wfc = jax.random.normal(ks[5], (H2, OUT), dtype=jnp.float32) / np.sqrt(H2)
    bfc = jnp.zeros((OUT,), dtype=jnp.float32)
    return {"x": x, "edge_index": edge_index, "graph_ids": graph_ids,
            "W1": W1, "b1": b1, "W2": W2, "b2": b2, "Wfc": Wfc, "bfc": bfc}


def _graph_conv(h, src, dst, n_nodes, W, b):
    # DGL GraphConv with norm='both': D^{-1/2} A D^{-1/2} H W + b
    deg_out = jnp.clip(jnp.zeros((n_nodes,), jnp.float32).at[src].add(1.0), 1.0)
    deg_in = jnp.clip(jnp.zeros((n_nodes,), jnp.float32).at[dst].add(1.0), 1.0)
    h = h * (deg_out ** -0.5)[:, None]
    agg = jnp.zeros_like(h).at[dst].add(h[src])
    agg = agg * (deg_in ** -0.5)[:, None]
    return agg @ W + b


def reference(x, edge_index, graph_ids, W1, b1, W2, b2, Wfc, bfc):
    n_nodes = x.shape[0]
    src, dst = edge_index[0], edge_index[1]
    # layer 1 + relu
    h = jax.nn.relu(_graph_conv(x, src, dst, n_nodes, W1, b1))
    # layer 2 + relu
    h = jax.nn.relu(_graph_conv(h, src, dst, n_nodes, W2, b2))
    # fc + softmax over classes
    logits = h @ Wfc + bfc
    p = jax.nn.softmax(logits, axis=-1)
    # unbatch + per-graph mean of node preds
    sums = jax.ops.segment_sum(p, graph_ids, num_segments=G)
    counts = jnp.clip(jax.ops.segment_sum(jnp.ones((n_nodes,), jnp.float32), graph_ids, num_segments=G), 1.0)
    preds = sums / counts[:, None]
    return preds

if __name__ == "__main__":
    import jax
    _d = setup_inputs()
    print(jax.jit(kernel)(*tuple(_d.values())))

</pallas_src>

<mosaic_0001>
#map = affine_map<(d0, d1) -> (0, 0, 0)>
#map1 = affine_map<(d0, d1) -> (0)>
module attributes {stable_mosaic.version = 14 : i64} {
  func.func @_deg_kernel(%arg0: i32, %arg1: i32, %arg2: memref<2x4000x80xi32, #tpu.memory_space<hbm>>, %arg3: memref<10000xf32, #tpu.memory_space<hbm>>, %arg4: memref<80xf32, #tpu.memory_space<hbm>>, %arg5: memref<10000xf32, #tpu.memory_space<hbm>>, %arg6: memref<10000xf32, #tpu.memory_space<hbm>>, %arg7: memref<250x80xi32, #tpu.memory_space<vmem>>, %arg8: memref<80xf32, #tpu.memory_space<vmem>>, %arg9: memref<!tpu.dma_semaphore, #tpu.memory_space<semaphore_mem>>, %arg10: memref<10000xf32, #tpu.memory_space<vmem_shared>>) attributes {dimension_semantics = [#tpu.dimension_semantics<core_parallel>, #tpu.dimension_semantics<subcore_parallel>], iteration_bounds = array<i64: 2, 16>, scalar_prefetch = 0 : i64, scratch_operands = 4 : i64, tpu.core_type = #tpu.core_type<sc_vector_subcore>, window_params = [{transform_indices = #map}, {transform_indices = #map1}, {transform_indices = #map1}, {transform_indices = #map1}, {transform_indices = #map1}]} {
    "tpu.region"() ({
      %run_scoped3A = tpu.sem_alloc : memref<!tpu.dma_semaphore, #tpu.memory_space<semaphore_mem>>
      tpu.enqueue_dma source(%arg4 : memref<80xf32, #tpu.memory_space<hbm>>) target(%arg8 : memref<80xf32, #tpu.memory_space<vmem>>) target_semaphore(%run_scoped3A : memref<!tpu.dma_semaphore, #tpu.memory_space<semaphore_mem>>)
      tpu.wait_dma2 semaphore(%run_scoped3A : memref<!tpu.dma_semaphore, #tpu.memory_space<semaphore_mem>>) src(%arg4 : memref<80xf32, #tpu.memory_space<hbm>>) dst(%arg8 : memref<80xf32, #tpu.memory_space<vmem>>)
      tpu.yield
    }) : () -> ()
    %mul3A = arith.constant 624 : i32
    %mul3A_0 = arith.muli %arg1, %mul3A : i32
    "tpu.region"() ({
      %run_scoped3A = tpu.sem_alloc : memref<!tpu.dma_semaphore, #tpu.memory_space<semaphore_mem>>
      %dma_start3A = tpu.memref_slice %arg10[%mul3A_0] : memref<10000xf32, #tpu.memory_space<vmem_shared>> -> memref<624xf32, #tpu.memory_space<vmem_shared>>
      %dma_start3A_52 = tpu.memref_slice %arg3[%mul3A_0] : memref<10000xf32, #tpu.memory_space<hbm>> -> memref<624xf32, #tpu.memory_space<hbm>>
      tpu.enqueue_dma source(%dma_start3A_52 : memref<624xf32, #tpu.memory_space<hbm>>) target(%dma_start3A : memref<624xf32, #tpu.memory_space<vmem_shared>>) target_semaphore(%run_scoped3A : memref<!tpu.dma_semaphore, #tpu.memory_space<semaphore_mem>>)
      %dma_wait3A = tpu.memref_slice %arg10[%mul3A_0] : memref<10000xf32, #tpu.memory_space<vmem_shared>> -> memref<624xf32, #tpu.memory_space<vmem_shared>>
      %dma_wait3A_53 = tpu.memref_slice %arg3[%mul3A_0] : memref<10000xf32, #tpu.memory_space<hbm>> -> memref<624xf32, #tpu.memory_space<hbm>>
      tpu.wait_dma2 semaphore(%run_scoped3A : memref<!tpu.dma_semaphore, #tpu.memory_space<semaphore_mem>>) src(%dma_wait3A_53 : memref<624xf32, #tpu.memory_space<hbm>>) dst(%dma_wait3A : memref<624xf32, #tpu.memory_space<vmem_shared>>)
      tpu.yield
    }) : () -> ()
    %eq3A = arith.constant 15 : i32
    %eq3A_1 = arith.cmpi eq, %arg1, %eq3A : i32
    %convert_element_type3A = arith.extui %eq3A_1 : i1 to i32
    %cond3A = arith.constant 0 : i32
    %cond3A_2 = arith.cmpi ne, %convert_element_type3A, %cond3A : i32
    scf.if %cond3A_2 {
      "tpu.region"() ({
        %run_scoped3A = tpu.sem_alloc : memref<!tpu.dma_semaphore, #tpu.memory_space<semaphore_mem>>
        %dma_start3A = arith.constant 9984 : i32
        %dma_start3A_52 = tpu.memref_slice %arg10[%dma_start3A] : memref<10000xf32, #tpu.memory_space<vmem_shared>> -> memref<16xf32, #tpu.memory_space<vmem_shared>>
        %dma_start3A_53 = arith.constant 9984 : i32
        %dma_start3A_54 = tpu.memref_slice %arg3[%dma_start3A_53] : memref<10000xf32, #tpu.memory_space<hbm>> -> memref<16xf32, #tpu.memory_space<hbm>>
        tpu.enqueue_dma source(%dma_start3A_54 : memref<16xf32, #tpu.memory_space<hbm>>) target(%dma_start3A_52 : memref<16xf32, #tpu.memory_space<vmem_shared>>) target_semaphore(%run_scoped3A : memref<!tpu.dma_semaphore, #tpu.memory_space<semaphore_mem>>)
        %dma_wait3A = arith.constant 9984 : i32
        %dma_wait3A_55 = tpu.memref_slice %arg10[%dma_wait3A] : memref<10000xf32, #tpu.memory_space<vmem_shared>> -> memref<16xf32, #tpu.memory_space<vmem_shared>>
        %dma_wait3A_56 = arith.constant 9984 : i32
        %dma_wait3A_57 = tpu.memref_slice %arg3[%dma_wait3A_56] : memref<10000xf32, #tpu.memory_space<hbm>> -> memref<16xf32, #tpu.memory_space<hbm>>
        tpu.wait_dma2 semaphore(%run_scoped3A : memref<!tpu.dma_semaphore, #tpu.memory_space<semaphore_mem>>) src(%dma_wait3A_57 : memref<16xf32, #tpu.memory_space<hbm>>) dst(%dma_wait3A_55 : memref<16xf32, #tpu.memory_space<vmem_shared>>)
        tpu.yield
      }) : () -> ()
    } else {
    }
    %mul3A_3 = arith.constant 250 : i32
    %mul3A_4 = arith.muli %arg1, %mul3A_3 : i32
    %eq3A_5 = arith.constant 0 : i32
    %eq3A_6 = arith.cmpi eq, %arg0, %eq3A_5 : i32
    %convert_element_type3A_7 = arith.extui %eq3A_6 : i1 to i32
    %cond3A_8 = arith.constant 0 : i32
    %cond3A_9 = arith.cmpi ne, %convert_element_type3A_7, %cond3A_8 : i32
    scf.if %cond3A_9 {
      %run_scoped3A = arith.constant 0 : i32
      "tpu.region"() ({
        %run_scoped3A_52 = tpu.sem_alloc : memref<!tpu.dma_semaphore, #tpu.memory_space<semaphore_mem>>
        %dma_start3A = arith.constant 0 : i32
        %dma_start3A_53 = tpu.memref_slice %arg2[%run_scoped3A, %mul3A_4, %dma_start3A] : memref<2x4000x80xi32, #tpu.memory_space<hbm>> -> memref<1x250x80xi32, #tpu.memory_space<hbm>>
        %dma_start3A_54 = tpu.memref_squeeze %dma_start3A_53 : memref<1x250x80xi32, #tpu.memory_space<hbm>> -> memref<250x80xi32, #tpu.memory_space<hbm>>
        %dma_start3A_55 = arith.constant 0 : i32
        %dma_start3A_56 = tpu.memref_slice %arg2[%run_scoped3A, %mul3A_4, %dma_start3A_55] : memref<2x4000x80xi32, #tpu.memory_space<hbm>> -> memref<1x250x80xi32, #tpu.memory_space<hbm>>
        %dma_start3A_57 = tpu.memref_squeeze %dma_start3A_56 : memref<1x250x80xi32, #tpu.memory_space<hbm>> -> memref<250x80xi32, #tpu.memory_space<hbm>>
        tpu.enqueue_dma source(%dma_start3A_57 : memref<250x80xi32, #tpu.memory_space<hbm>>) target(%arg7 : memref<250x80xi32, #tpu.memory_space<vmem>>) target_semaphore(%run_scoped3A_52 : memref<!tpu.dma_semaphore, #tpu.memory_space<semaphore_mem>>)
        %dma_wait3A = arith.constant 0 : i32
        %dma_wait3A_58 = tpu.memref_slice %arg2[%run_scoped3A, %mul3A_4, %dma_wait3A] : memref<2x4000x80xi32, #tpu.memory_space<hbm>> -> memref<1x250x80xi32, #tpu.memory_space<hbm>>
        %dma_wait3A_59 = tpu.memref_squeeze %dma_wait3A_58 : memref<1x250x80xi32, #tpu.memory_space<hbm>> -> memref<250x80xi32, #tpu.memory_space<hbm>>
        %dma_wait3A_60 = arith.constant 0 : i32
        %dma_wait3A_61 = tpu.memref_slice %arg2[%run_scoped3A, %mul3A_4, %dma_wait3A_60] : memref<2x4000x80xi32, #tpu.memory_space<hbm>> -> memref<1x250x80xi32, #tpu.memory_space<hbm>>
        %dma_wait3A_62 = tpu.memref_squeeze %dma_wait3A_61 : memref<1x250x80xi32, #tpu.memory_space<hbm>> -> memref<250x80xi32, #tpu.memory_space<hbm>>
        tpu.wait_dma2 semaphore(%run_scoped3A_52 : memref<!tpu.dma_semaphore, #tpu.memory_space<semaphore_mem>>) src(%dma_wait3A_62 : memref<250x80xi32, #tpu.memory_space<hbm>>) dst(%arg7 : memref<250x80xi32, #tpu.memory_space<vmem>>)
        tpu.yield
      }) : () -> ()
    } else {
    }
    %eq3A_10 = arith.constant 1 : i32
    %eq3A_11 = arith.cmpi eq, %arg0, %eq3A_10 : i32
    %convert_element_type3A_12 = arith.extui %eq3A_11 : i1 to i32
    %cond3A_13 = arith.constant 0 : i32
    %cond3A_14 = arith.cmpi ne, %convert_element_type3A_12, %cond3A_13 : i32
    scf.if %cond3A_14 {
      %run_scoped3A = arith.constant 1 : i32
      "tpu.region"() ({
        %run_scoped3A_52 = tpu.sem_alloc : memref<!tpu.dma_semaphore, #tpu.memory_space<semaphore_mem>>
        %dma_start3A = arith.constant 0 : i32
        %dma_start3A_53 = tpu.memref_slice %arg2[%run_scoped3A, %mul3A_4, %dma_start3A] : memref<2x4000x80xi32, #tpu.memory_space<hbm>> -> memref<1x250x80xi32, #tpu.memory_space<hbm>>
        %dma_start3A_54 = tpu.memref_squeeze %dma_start3A_53 : memref<1x250x80xi32, #tpu.memory_space<hbm>> -> memref<250x80xi32, #tpu.memory_space<hbm>>
        %dma_start3A_55 = arith.constant 0 : i32
        %dma_start3A_56 = tpu.memref_slice %arg2[%run_scoped3A, %mul3A_4, %dma_start3A_55] : memref<2x4000x80xi32, #tpu.memory_space<hbm>> -> memref<1x250x80xi32, #tpu.memory_space<hbm>>
        %dma_start3A_57 = tpu.memref_squeeze %dma_start3A_56 : memref<1x250x80xi32, #tpu.memory_space<hbm>> -> memref<250x80xi32, #tpu.memory_space<hbm>>
        tpu.enqueue_dma source(%dma_start3A_57 : memref<250x80xi32, #tpu.memory_space<hbm>>) target(%arg7 : memref<250x80xi32, #tpu.memory_space<vmem>>) target_semaphore(%run_scoped3A_52 : memref<!tpu.dma_semaphore, #tpu.memory_space<semaphore_mem>>)
        %dma_wait3A = arith.constant 0 : i32
        %dma_wait3A_58 = tpu.memref_slice %arg2[%run_scoped3A, %mul3A_4, %dma_wait3A] : memref<2x4000x80xi32, #tpu.memory_space<hbm>> -> memref<1x250x80xi32, #tpu.memory_space<hbm>>
        %dma_wait3A_59 = tpu.memref_squeeze %dma_wait3A_58 : memref<1x250x80xi32, #tpu.memory_space<hbm>> -> memref<250x80xi32, #tpu.memory_space<hbm>>
        %dma_wait3A_60 = arith.constant 0 : i32
        %dma_wait3A_61 = tpu.memref_slice %arg2[%run_scoped3A, %mul3A_4, %dma_wait3A_60] : memref<2x4000x80xi32, #tpu.memory_space<hbm>> -> memref<1x250x80xi32, #tpu.memory_space<hbm>>
        %dma_wait3A_62 = tpu.memref_squeeze %dma_wait3A_61 : memref<1x250x80xi32, #tpu.memory_space<hbm>> -> memref<250x80xi32, #tpu.memory_space<hbm>>
        tpu.wait_dma2 semaphore(%run_scoped3A_52 : memref<!tpu.dma_semaphore, #tpu.memory_space<semaphore_mem>>) src(%dma_wait3A_62 : memref<250x80xi32, #tpu.memory_space<hbm>>) dst(%arg7 : memref<250x80xi32, #tpu.memory_space<vmem>>)
        tpu.yield
      }) : () -> ()
    } else {
    }
    %barrier3A = arith.constant 0 : index
    tpu.barrier barrier_id(%barrier3A)
    %scan3A = arith.constant 0 : i32
    %scan3A_15 = arith.constant 0 : i32
    %scan3A_16 = arith.constant 250 : i32
    %scan3A_17 = arith.addi %scan3A_15, %scan3A_16 : i32
    %scan3A_18 = arith.constant 1 : i32
    scf.for %scan3A_52 = %scan3A_15 to %scan3A_17 step %scan3A_18  : i32 {
      %dma_start3A = arith.constant 0 : i32
      %dma_start3A_53 = tpu.memref_slice %arg7[%scan3A_52, %dma_start3A] : memref<250x80xi32, #tpu.memory_space<vmem>> -> memref<1x80xi32, #tpu.memory_space<vmem>>
      %dma_start3A_54 = tpu.memref_squeeze %dma_start3A_53 : memref<1x80xi32, #tpu.memory_space<vmem>> -> memref<80xi32, #tpu.memory_space<vmem>>
      %dma_start3A_55 = arith.constant 0 : i32
      %dma_start3A_56 = tpu.memref_slice %arg10[%dma_start3A_55] : memref<10000xf32, #tpu.memory_space<vmem_shared>> -> memref<10000xf32, #tpu.memory_space<vmem_shared>>
      tpu.enqueue_indirect_dma source(%arg8 : memref<80xf32, #tpu.memory_space<vmem>>) target(%dma_start3A_56 : memref<10000xf32, #tpu.memory_space<vmem_shared>>) offsets(%dma_start3A_54 : memref<80xi32, #tpu.memory_space<vmem>>) semaphore(%arg9 : memref<!tpu.dma_semaphore, #tpu.memory_space<semaphore_mem>>) {add = true}
      %ge3A = arith.constant 10 : i32
      %ge3A_57 = arith.cmpi sge, %scan3A_52, %ge3A : i32
      %convert_element_type3A_58 = arith.extui %ge3A_57 : i1 to i32
      %cond3A_59 = arith.constant 0 : i32
      %cond3A_60 = arith.cmpi ne, %convert_element_type3A_58, %cond3A_59 : i32
      scf.if %cond3A_60 {
        tpu.wait_dma2 semaphore(%arg9 : memref<!tpu.dma_semaphore, #tpu.memory_space<semaphore_mem>>) src(%arg4 : memref<80xf32, #tpu.memory_space<hbm>>) dst(%arg8 : memref<80xf32, #tpu.memory_space<vmem>>)
      } else {
      }
    }
    %scan3A_19 = arith.constant 250 : i32
    %scan3A_20 = arith.constant 0 : i32
    %scan3A_21 = arith.constant 0 : i32
    %scan3A_22 = arith.constant 10 : i32
    %scan3A_23 = arith.addi %scan3A_21, %scan3A_22 : i32
    %scan3A_24 = arith.constant 1 : i32
    scf.for %scan3A_52 = %scan3A_21 to %scan3A_23 step %scan3A_24  : i32 {
      tpu.wait_dma2 semaphore(%arg9 : memref<!tpu.dma_semaphore, #tpu.memory_space<semaphore_mem>>) src(%arg4 : memref<80xf32, #tpu.memory_space<hbm>>) dst(%arg8 : memref<80xf32, #tpu.memory_space<vmem>>)
    }
    %scan3A_25 = arith.constant 10 : i32
    %barrier3A_26 = arith.constant 0 : index
    tpu.barrier barrier_id(%barrier3A_26)
    %eq3A_27 = arith.constant 0 : i32
    %eq3A_28 = arith.cmpi eq, %arg0, %eq3A_27 : i32
    %convert_element_type3A_29 = arith.extui %eq3A_28 : i1 to i32
    %cond3A_30 = arith.constant 0 : i32
    %cond3A_31 = arith.cmpi ne, %convert_element_type3A_29, %cond3A_30 : i32
    scf.if %cond3A_31 {
      "tpu.region"() ({
        %run_scoped3A = tpu.sem_alloc : memref<!tpu.dma_semaphore, #tpu.memory_space<semaphore_mem>>
        %dma_start3A = tpu.memref_slice %arg5[%mul3A_0] : memref<10000xf32, #tpu.memory_space<hbm>> -> memref<624xf32, #tpu.memory_space<hbm>>
        %dma_start3A_52 = tpu.memref_slice %arg10[%mul3A_0] : memref<10000xf32, #tpu.memory_space<vmem_shared>> -> memref<624xf32, #tpu.memory_space<vmem_shared>>
        tpu.enqueue_dma source(%dma_start3A_52 : memref<624xf32, #tpu.memory_space<vmem_shared>>) target(%dma_start3A : memref<624xf32, #tpu.memory_space<hbm>>) target_semaphore(%run_scoped3A : memref<!tpu.dma_semaphore, #tpu.memory_space<semaphore_mem>>)
        %dma_wait3A = tpu.memref_slice %arg5[%mul3A_0] : memref<10000xf32, #tpu.memory_space<hbm>> -> memref<624xf32, #tpu.memory_space<hbm>>
        %dma_wait3A_53 = tpu.memref_slice %arg10[%mul3A_0] : memref<10000xf32, #tpu.memory_space<vmem_shared>> -> memref<624xf32, #tpu.memory_space<vmem_shared>>
        tpu.wait_dma2 semaphore(%run_scoped3A : memref<!tpu.dma_semaphore, #tpu.memory_space<semaphore_mem>>) src(%dma_wait3A_53 : memref<624xf32, #tpu.memory_space<vmem_shared>>) dst(%dma_wait3A : memref<624xf32, #tpu.memory_space<hbm>>)
        tpu.yield
      }) : () -> ()
    } else {
    }
    %eq3A_32 = arith.constant 1 : i32
    %eq3A_33 = arith.cmpi eq, %arg0, %eq3A_32 : i32
    %convert_element_type3A_34 = arith.extui %eq3A_33 : i1 to i32
    %cond3A_35 = arith.constant 0 : i32
    %cond3A_36 = arith.cmpi ne, %convert_element_type3A_34, %cond3A_35 : i32
    scf.if %cond3A_36 {
      "tpu.region"() ({
        %run_scoped3A = tpu.sem_alloc : memref<!tpu.dma_semaphore, #tpu.memory_space<semaphore_mem>>
        %dma_start3A = tpu.memref_slice %arg6[%mul3A_0] : memref<10000xf32, #tpu.memory_space<hbm>> -> memref<624xf32, #tpu.memory_space<hbm>>
        %dma_start3A_52 = tpu.memref_slice %arg10[%mul3A_0] : memref<10000xf32, #tpu.memory_space<vmem_shared>> -> memref<624xf32, #tpu.memory_space<vmem_shared>>
        tpu.enqueue_dma source(%dma_start3A_52 : memref<624xf32, #tpu.memory_space<vmem_shared>>) target(%dma_start3A : memref<624xf32, #tpu.memory_space<hbm>>) target_semaphore(%run_scoped3A : memref<!tpu.dma_semaphore, #tpu.memory_space<semaphore_mem>>)
        %dma_wait3A = tpu.memref_slice %arg6[%mul3A_0] : memref<10000xf32, #tpu.memory_space<hbm>> -> memref<624xf32, #tpu.memory_space<hbm>>
        %dma_wait3A_53 = tpu.memref_slice %arg10[%mul3A_0] : memref<10000xf32, #tpu.memory_space<vmem_shared>> -> memref<624xf32, #tpu.memory_space<vmem_shared>>
        tpu.wait_dma2 semaphore(%run_scoped3A : memref<!tpu.dma_semaphore, #tpu.memory_space<semaphore_mem>>) src(%dma_wait3A_53 : memref<624xf32, #tpu.memory_space<vmem_shared>>) dst(%dma_wait3A : memref<624xf32, #tpu.memory_space<hbm>>)
        tpu.yield
      }) : () -> ()
    } else {
    }
    %eq3A_37 = arith.constant 0 : i32
    %eq3A_38 = arith.cmpi eq, %arg0, %eq3A_37 : i32
    %eq3A_39 = arith.constant 15 : i32
    %eq3A_40 = arith.cmpi eq, %arg1, %eq3A_39 : i32
    %and3A = arith.andi %eq3A_38, %eq3A_40 : i1
    %convert_element_type3A_41 = arith.extui %and3A : i1 to i32
    %cond3A_42 = arith.constant 0 : i32
    %cond3A_43 = arith.cmpi ne, %convert_element_type3A_41, %cond3A_42 : i32
    scf.if %cond3A_43 {
      "tpu.region"() ({
        %run_scoped3A = tpu.sem_alloc : memref<!tpu.dma_semaphore, #tpu.memory_space<semaphore_mem>>
        %dma_start3A = arith.constant 9984 : i32
        %dma_start3A_52 = tpu.memref_slice %arg5[%dma_start3A] : memref<10000xf32, #tpu.memory_space<hbm>> -> memref<16xf32, #tpu.memory_space<hbm>>
        %dma_start3A_53 = arith.constant 9984 : i32
        %dma_start3A_54 = tpu.memref_slice %arg10[%dma_start3A_53] : memref<10000xf32, #tpu.memory_space<vmem_shared>> -> memref<16xf32, #tpu.memory_space<vmem_shared>>
        tpu.enqueue_dma source(%dma_start3A_54 : memref<16xf32, #tpu.memory_space<vmem_shared>>) target(%dma_start3A_52 : memref<16xf32, #tpu.memory_space<hbm>>) target_semaphore(%run_scoped3A : memref<!tpu.dma_semaphore, #tpu.memory_space<semaphore_mem>>)
        %dma_wait3A = arith.constant 9984 : i32
        %dma_wait3A_55 = tpu.memref_slice %arg5[%dma_wait3A] : memref<10000xf32, #tpu.memory_space<hbm>> -> memref<16xf32, #tpu.memory_space<hbm>>
        %dma_wait3A_56 = arith.constant 9984 : i32
        %dma_wait3A_57 = tpu.memref_slice %arg10[%dma_wait3A_56] : memref<10000xf32, #tpu.memory_space<vmem_shared>> -> memref<16xf32, #tpu.memory_space<vmem_shared>>
        tpu.wait_dma2 semaphore(%run_scoped3A : memref<!tpu.dma_semaphore, #tpu.memory_space<semaphore_mem>>) src(%dma_wait3A_57 : memref<16xf32, #tpu.memory_space<vmem_shared>>) dst(%dma_wait3A_55 : memref<16xf32, #tpu.memory_space<hbm>>)
        tpu.yield
      }) : () -> ()
    } else {
    }
    %eq3A_44 = arith.constant 1 : i32
    %eq3A_45 = arith.cmpi eq, %arg0, %eq3A_44 : i32
    %eq3A_46 = arith.constant 15 : i32
    %eq3A_47 = arith.cmpi eq, %arg1, %eq3A_46 : i32
    %and3A_48 = arith.andi %eq3A_45, %eq3A_47 : i1
    %convert_element_type3A_49 = arith.extui %and3A_48 : i1 to i32
    %cond3A_50 = arith.constant 0 : i32
    %cond3A_51 = arith.cmpi ne, %convert_element_type3A_49, %cond3A_50 : i32
    scf.if %cond3A_51 {
      "tpu.region"() ({
        %run_scoped3A = tpu.sem_alloc : memref<!tpu.dma_semaphore, #tpu.memory_space<semaphore_mem>>
        %dma_start3A = arith.constant 9984 : i32
        %dma_start3A_52 = tpu.memref_slice %arg6[%dma_start3A] : memref<10000xf32, #tpu.memory_space<hbm>> -> memref<16xf32, #tpu.memory_space<hbm>>
        %dma_start3A_53 = arith.constant 9984 : i32
        %dma_start3A_54 = tpu.memref_slice %arg10[%dma_start3A_53] : memref<10000xf32, #tpu.memory_space<vmem_shared>> -> memref<16xf32, #tpu.memory_space<vmem_shared>>
        tpu.enqueue_dma source(%dma_start3A_54 : memref<16xf32, #tpu.memory_space<vmem_shared>>) target(%dma_start3A_52 : memref<16xf32, #tpu.memory_space<hbm>>) target_semaphore(%run_scoped3A : memref<!tpu.dma_semaphore, #tpu.memory_space<semaphore_mem>>)
        %dma_wait3A = arith.constant 9984 : i32
        %dma_wait3A_55 = tpu.memref_slice %arg6[%dma_wait3A] : memref<10000xf32, #tpu.memory_space<hbm>> -> memref<16xf32, #tpu.memory_space<hbm>>
        %dma_wait3A_56 = arith.constant 9984 : i32
        %dma_wait3A_57 = tpu.memref_slice %arg10[%dma_wait3A_56] : memref<10000xf32, #tpu.memory_space<vmem_shared>> -> memref<16xf32, #tpu.memory_space<vmem_shared>>
        tpu.wait_dma2 semaphore(%run_scoped3A : memref<!tpu.dma_semaphore, #tpu.memory_space<semaphore_mem>>) src(%dma_wait3A_57 : memref<16xf32, #tpu.memory_space<vmem_shared>>) dst(%dma_wait3A_55 : memref<16xf32, #tpu.memory_space<hbm>>)
        tpu.yield
      }) : () -> ()
    } else {
    }
    return
  }
}

#map = affine_map<(d0, d1) -> (0, 0)>
#map1 = affine_map<(d0, d1) -> (0, 0, 0)>
module attributes {stable_mosaic.version = 14 : i64} {
  func.func @_agg_kernel(%arg0: i32, %arg1: i32, %arg2: memref<10000x128xf32, #tpu.memory_space<hbm>>, %arg3: memref<2x3200x100xi32, #tpu.memory_space<hbm>>, %arg4: memref<10000x128xf32, #tpu.memory_space<hbm>>, %arg5: memref<20000x128xf32, #tpu.memory_space<hbm>>, %arg6: memref<100x100xi32, #tpu.memory_space<vmem>>, %arg7: memref<100x100xi32, #tpu.memory_space<vmem>>, %arg8: memref<100x128xf32, #tpu.memory_space<vmem>>, %arg9: memref<100x128xf32, #tpu.memory_space<vmem>>, %arg10: memref<!tpu.dma_semaphore, #tpu.memory_space<semaphore_mem>>, %arg11: memref<!tpu.dma_semaphore, #tpu.memory_space<semaphore_mem>>, %arg12: memref<!tpu.dma_semaphore, #tpu.memory_space<semaphore_mem>>, %arg13: memref<!tpu.dma_semaphore, #tpu.memory_space<semaphore_mem>>, %arg14: memref<10000x128xf32, #tpu.memory_space<vmem_shared>>) attributes {dimension_semantics = [#tpu.dimension_semantics<core_parallel>, #tpu.dimension_semantics<subcore_parallel>], iteration_bounds = array<i64: 2, 16>, scalar_prefetch = 0 : i64, scratch_operands = 9 : i64, tpu.core_type = #tpu.core_type<sc_vector_subcore>, window_params = [{transform_indices = #map}, {transform_indices = #map1}, {transform_indices = #map}, {transform_indices = #map}]} {
    %mul3A = arith.constant 624 : i32
    %mul3A_0 = arith.muli %arg1, %mul3A : i32
    "tpu.region"() ({
      %run_scoped3A_35 = tpu.sem_alloc : memref<!tpu.dma_semaphore, #tpu.memory_space<semaphore_mem>>
      %dma_start3A_36 = arith.constant 0 : i32
      %dma_start3A_37 = tpu.memref_slice %arg14[%mul3A_0, %dma_start3A_36] : memref<10000x128xf32, #tpu.memory_space<vmem_shared>> -> memref<624x128xf32, #tpu.memory_space<vmem_shared>>
      %dma_start3A_38 = arith.constant 0 : i32
      %dma_start3A_39 = tpu.memref_slice %arg4[%mul3A_0, %dma_start3A_38] : memref<10000x128xf32, #tpu.memory_space<hbm>> -> memref<624x128xf32, #tpu.memory_space<hbm>>
      tpu.enqueue_dma source(%dma_start3A_39 : memref<624x128xf32, #tpu.memory_space<hbm>>) target(%dma_start3A_37 : memref<624x128xf32, #tpu.memory_space<vmem_shared>>) target_semaphore(%run_scoped3A_35 : memref<!tpu.dma_semaphore, #tpu.memory_space<semaphore_mem>>)
      %dma_wait3A = arith.constant 0 : i32
      %dma_wait3A_40 = tpu.memref_slice %arg14[%mul3A_0, %dma_wait3A] : memref<10000x128xf32, #tpu.memory_space<vmem_shared>> -> memref<624x128xf32, #tpu.memory_space<vmem_shared>>
      %dma_wait3A_41 = arith.constant 0 : i32
      %dma_wait3A_42 = tpu.memref_slice %arg4[%mul3A_0, %dma_wait3A_41] : memref<10000x128xf32, #tpu.memory_space<hbm>> -> memref<624x128xf32, #tpu.memory_space<hbm>>
      tpu.wait_dma2 semaphore(%run_scoped3A_35 : memref<!tpu.dma_semaphore, #tpu.memory_space<semaphore_mem>>) src(%dma_wait3A_42 : memref<624x128xf32, #tpu.memory_space<hbm>>) dst(%dma_wait3A_40 : memref<624x128xf32, #tpu.memory_space<vmem_shared>>)
      tpu.yield
    }) : () -> ()
    %eq3A = arith.constant 15 : i32
    %eq3A_1 = arith.cmpi eq, %arg1, %eq3A : i32
    %convert_element_type3A = arith.extui %eq3A_1 : i1 to i32
    %cond3A = arith.constant 0 : i32
    %cond3A_2 = arith.cmpi ne, %convert_element_type3A, %cond3A : i32
    scf.if %cond3A_2 {
      "tpu.region"() ({
        %run_scoped3A_35 = tpu.sem_alloc : memref<!tpu.dma_semaphore, #tpu.memory_space<semaphore_mem>>
        %dma_start3A_36 = arith.constant 9984 : i32
        %dma_start3A_37 = arith.constant 0 : i32
        %dma_start3A_38 = tpu.memref_slice %arg14[%dma_start3A_36, %dma_start3A_37] : memref<10000x128xf32, #tpu.memory_space<vmem_shared>> -> memref<16x128xf32, #tpu.memory_space<vmem_shared>>
        %dma_start3A_39 = arith.constant 9984 : i32
        %dma_start3A_40 = arith.constant 0 : i32
        %dma_start3A_41 = tpu.memref_slice %arg4[%dma_start3A_39, %dma_start3A_40] : memref<10000x128xf32, #tpu.memory_space<hbm>> -> memref<16x128xf32, #tpu.memory_space<hbm>>
        tpu.enqueue_dma source(%dma_start3A_41 : memref<16x128xf32, #tpu.memory_space<hbm>>) target(%dma_start3A_38 : memref<16x128xf32, #tpu.memory_space<vmem_shared>>) target_semaphore(%run_scoped3A_35 : memref<!tpu.dma_semaphore, #tpu.memory_space<semaphore_mem>>)
        %dma_wait3A = arith.constant 9984 : i32
        %dma_wait3A_42 = arith.constant 0 : i32
        %dma_wait3A_43 = tpu.memref_slice %arg14[%dma_wait3A, %dma_wait3A_42] : memref<10000x128xf32, #tpu.memory_space<vmem_shared>> -> memref<16x128xf32, #tpu.memory_space<vmem_shared>>
        %dma_wait3A_44 = arith.constant 9984 : i32
        %dma_wait3A_45 = arith.constant 0 : i32
        %dma_wait3A_46 = tpu.memref_slice %arg4[%dma_wait3A_44, %dma_wait3A_45] : memref<10000x128xf32, #tpu.memory_space<hbm>> -> memref<16x128xf32, #tpu.memory_space<hbm>>
        tpu.wait_dma2 semaphore(%run_scoped3A_35 : memref<!tpu.dma_semaphore, #tpu.memory_space<semaphore_mem>>) src(%dma_wait3A_46 : memref<16x128xf32, #tpu.memory_space<hbm>>) dst(%dma_wait3A_43 : memref<16x128xf32, #tpu.memory_space<vmem_shared>>)
        tpu.yield
      }) : () -> ()
    } else {
    }
    %mul3A_3 = arith.constant 16 : i32
    %mul3A_4 = arith.muli %arg0, %mul3A_3 : i32
    %add3A = arith.addi %mul3A_4, %arg1 : i32
    %mul3A_5 = arith.constant 100 : i32
    %mul3A_6 = arith.muli %add3A, %mul3A_5 : i32
    %run_scoped3A = arith.constant 0 : i32
    "tpu.region"() ({
      %run_scoped3A_35 = tpu.sem_alloc : memref<!tpu.dma_semaphore, #tpu.memory_space<semaphore_mem>>
      %dma_start3A_36 = arith.constant 0 : i32
      %dma_start3A_37 = tpu.memref_slice %arg3[%run_scoped3A, %mul3A_6, %dma_start3A_36] : memref<2x3200x100xi32, #tpu.memory_space<hbm>> -> memref<1x100x100xi32, #tpu.memory_space<hbm>>
      %dma_start3A_38 = tpu.memref_squeeze %dma_start3A_37 : memref<1x100x100xi32, #tpu.memory_space<hbm>> -> memref<100x100xi32, #tpu.memory_space<hbm>>
      %dma_start3A_39 = arith.constant 0 : i32
      %dma_start3A_40 = tpu.memref_slice %arg3[%run_scoped3A, %mul3A_6, %dma_start3A_39] : memref<2x3200x100xi32, #tpu.memory_space<hbm>> -> memref<1x100x100xi32, #tpu.memory_space<hbm>>
      %dma_start3A_41 = tpu.memref_squeeze %dma_start3A_40 : memref<1x100x100xi32, #tpu.memory_space<hbm>> -> memref<100x100xi32, #tpu.memory_space<hbm>>
      tpu.enqueue_dma source(%dma_start3A_41 : memref<100x100xi32, #tpu.memory_space<hbm>>) target(%arg6 : memref<100x100xi32, #tpu.memory_space<vmem>>) target_semaphore(%run_scoped3A_35 : memref<!tpu.dma_semaphore, #tpu.memory_space<semaphore_mem>>)
      %dma_wait3A = arith.constant 0 : i32
      %dma_wait3A_42 = tpu.memref_slice %arg3[%run_scoped3A, %mul3A_6, %dma_wait3A] : memref<2x3200x100xi32, #tpu.memory_space<hbm>> -> memref<1x100x100xi32, #tpu.memory_space<hbm>>
      %dma_wait3A_43 = tpu.memref_squeeze %dma_wait3A_42 : memref<1x100x100xi32, #tpu.memory_space<hbm>> -> memref<100x100xi32, #tpu.memory_space<hbm>>
      %dma_wait3A_44 = arith.constant 0 : i32
      %dma_wait3A_45 = tpu.memref_slice %arg3[%run_scoped3A, %mul3A_6, %dma_wait3A_44] : memref<2x3200x100xi32, #tpu.memory_space<hbm>> -> memref<1x100x100xi32, #tpu.memory_space<hbm>>
      %dma_wait3A_46 = tpu.memref_squeeze %dma_wait3A_45 : memref<1x100x100xi32, #tpu.memory_space<hbm>> -> memref<100x100xi32, #tpu.memory_space<hbm>>
      tpu.wait_dma2 semaphore(%run_scoped3A_35 : memref<!tpu.dma_semaphore, #tpu.memory_space<semaphore_mem>>) src(%dma_wait3A_46 : memref<100x100xi32, #tpu.memory_space<hbm>>) dst(%arg6 : memref<100x100xi32, #tpu.memory_space<vmem>>)
      tpu.yield
    }) : () -> ()
    %run_scoped3A_7 = arith.constant 1 : i32
    "tpu.region"() ({
      %run_scoped3A_35 = tpu.sem_alloc : memref<!tpu.dma_semaphore, #tpu.memory_space<semaphore_mem>>
      %dma_start3A_36 = arith.constant 0 : i32
      %dma_start3A_37 = tpu.memref_slice %arg3[%run_scoped3A_7, %mul3A_6, %dma_start3A_36] : memref<2x3200x100xi32, #tpu.memory_space<hbm>> -> memref<1x100x100xi32, #tpu.memory_space<hbm>>
      %dma_start3A_38 = tpu.memref_squeeze %dma_start3A_37 : memref<1x100x100xi32, #tpu.memory_space<hbm>> -> memref<100x100xi32, #tpu.memory_space<hbm>>
      %dma_start3A_39 = arith.constant 0 : i32
      %dma_start3A_40 = tpu.memref_slice %arg3[%run_scoped3A_7, %mul3A_6, %dma_start3A_39] : memref<2x3200x100xi32, #tpu.memory_space<hbm>> -> memref<1x100x100xi32, #tpu.memory_space<hbm>>
      %dma_start3A_41 = tpu.memref_squeeze %dma_start3A_40 : memref<1x100x100xi32, #tpu.memory_space<hbm>> -> memref<100x100xi32, #tpu.memory_space<hbm>>
      tpu.enqueue_dma source(%dma_start3A_41 : memref<100x100xi32, #tpu.memory_space<hbm>>) target(%arg7 : memref<100x100xi32, #tpu.memory_space<vmem>>) target_semaphore(%run_scoped3A_35 : memref<!tpu.dma_semaphore, #tpu.memory_space<semaphore_mem>>)
      %dma_wait3A = arith.constant 0 : i32
      %dma_wait3A_42 = tpu.memref_slice %arg3[%run_scoped3A_7, %mul3A_6, %dma_wait3A] : memref<2x3200x100xi32, #tpu.memory_space<hbm>> -> memref<1x100x100xi32, #tpu.memory_space<hbm>>
      %dma_wait3A_43 = tpu.memref_squeeze %dma_wait3A_42 : memref<1x100x100xi32, #tpu.memory_space<hbm>> -> memref<100x100xi32, #tpu.memory_space<hbm>>
      %dma_wait3A_44 = arith.constant 0 : i32
      %dma_wait3A_45 = tpu.memref_slice %arg3[%run_scoped3A_7, %mul3A_6, %dma_wait3A_44] : memref<2x3200x100xi32, #tpu.memory_space<hbm>> -> memref<1x100x100xi32, #tpu.memory_space<hbm>>
      %dma_wait3A_46 = tpu.memref_squeeze %dma_wait3A_45 : memref<1x100x100xi32, #tpu.memory_space<hbm>> -> memref<100x100xi32, #tpu.memory_space<hbm>>
      tpu.wait_dma2 semaphore(%run_scoped3A_35 : memref<!tpu.dma_semaphore, #tpu.memory_space<semaphore_mem>>) src(%dma_wait3A_46 : memref<100x100xi32, #tpu.memory_space<hbm>>) dst(%arg7 : memref<100x100xi32, #tpu.memory_space<vmem>>)
      tpu.yield
    }) : () -> ()
    %dma_start3A = arith.constant 0 : i32
    %dma_start3A_8 = arith.constant 0 : i32
    %dma_start3A_9 = tpu.memref_slice %arg6[%dma_start3A, %dma_start3A_8] : memref<100x100xi32, #tpu.memory_space<vmem>> -> memref<1x100xi32, #tpu.memory_space<vmem>>
    %dma_start3A_10 = tpu.memref_squeeze %dma_start3A_9 : memref<1x100xi32, #tpu.memory_space<vmem>> -> memref<100xi32, #tpu.memory_space<vmem>>
    %dma_start3A_11 = arith.constant 0 : i32
    %dma_start3A_12 = arith.constant 0 : i32
    %dma_start3A_13 = tpu.memref_slice %arg2[%dma_start3A_11, %dma_start3A_12] : memref<10000x128xf32, #tpu.memory_space<hbm>> -> memref<10000x128xf32, #tpu.memory_space<hbm>>
    tpu.enqueue_indirect_dma source(%dma_start3A_13 : memref<10000x128xf32, #tpu.memory_space<hbm>>) target(%arg8 : memref<100x128xf32, #tpu.memory_space<vmem>>) offsets(%dma_start3A_10 : memref<100xi32, #tpu.memory_space<vmem>>) semaphore(%arg10 : memref<!tpu.dma_semaphore, #tpu.memory_space<semaphore_mem>>)
    %dma_start3A_14 = arith.constant 1 : i32
    %dma_start3A_15 = arith.constant 0 : i32
    %dma_start3A_16 = tpu.memref_slice %arg6[%dma_start3A_14, %dma_start3A_15] : memref<100x100xi32, #tpu.memory_space<vmem>> -> memref<1x100xi32, #tpu.memory_space<vmem>>
    %dma_start3A_17 = tpu.memref_squeeze %dma_start3A_16 : memref<1x100xi32, #tpu.memory_space<vmem>> -> memref<100xi32, #tpu.memory_space<vmem>>
    %dma_start3A_18 = arith.constant 0 : i32
    %dma_start3A_19 = arith.constant 0 : i32
    %dma_start3A_20 = tpu.memref_slice %arg2[%dma_start3A_18, %dma_start3A_19] : memref<10000x128xf32, #tpu.memory_space<hbm>> -> memref<10000x128xf32, #tpu.memory_space<hbm>>
    tpu.enqueue_indirect_dma source(%dma_start3A_20 : memref<10000x128xf32, #tpu.memory_space<hbm>>) target(%arg9 : memref<100x128xf32, #tpu.memory_space<vmem>>) offsets(%dma_start3A_17 : memref<100xi32, #tpu.memory_space<vmem>>) semaphore(%arg11 : memref<!tpu.dma_semaphore, #tpu.memory_space<semaphore_mem>>)
    %barrier3A = arith.constant 0 : index
    tpu.barrier barrier_id(%barrier3A)
    %scan3A = arith.constant 0 : i32
    %scan3A_21 = arith.constant 0 : i32
    %scan3A_22 = arith.constant 50 : i32
    %scan3A_23 = arith.addi %scan3A_21, %scan3A_22 : i32
    %scan3A_24 = arith.constant 1 : i32
    scf.for %scan3A_35 = %scan3A_21 to %scan3A_23 step %scan3A_24  : i32 {
      %mul3A_36 = arith.constant 2 : i32
      %mul3A_37 = arith.muli %mul3A_36, %scan3A_35 : i32
      %dma_wait3A = arith.constant 0 : i32
      %dma_wait3A_38 = tpu.memref_slice %arg6[%mul3A_37, %dma_wait3A] : memref<100x100xi32, #tpu.memory_space<vmem>> -> memref<1x100xi32, #tpu.memory_space<vmem>>
      %dma_wait3A_39 = tpu.memref_squeeze %dma_wait3A_38 : memref<1x100xi32, #tpu.memory_space<vmem>> -> memref<100xi32, #tpu.memory_space<vmem>>
      %dma_wait3A_40 = arith.constant 0 : i32
      %dma_wait3A_41 = arith.constant 0 : i32
      %dma_wait3A_42 = tpu.memref_slice %arg2[%dma_wait3A_40, %dma_wait3A_41] : memref<10000x128xf32, #tpu.memory_space<hbm>> -> memref<10000x128xf32, #tpu.memory_space<hbm>>
      tpu.wait_indirect_dma semaphore(%arg10 : memref<!tpu.dma_semaphore, #tpu.memory_space<semaphore_mem>>) src(%dma_wait3A_42 : memref<10000x128xf32, #tpu.memory_space<hbm>>) dst(%arg8 : memref<100x128xf32, #tpu.memory_space<vmem>>)
      %mul3A_43 = arith.constant 2 : i32
      %mul3A_44 = arith.muli %mul3A_43, %scan3A_35 : i32
      "tpu.region"() ({
        %run_scoped3A_68 = tpu.sem_alloc : memref<!tpu.dma_semaphore, #tpu.memory_space<semaphore_mem>>
        %dma_start3A_69 = arith.constant 0 : i32
        %dma_start3A_70 = tpu.memref_slice %arg7[%mul3A_44, %dma_start3A_69] : memref<100x100xi32, #tpu.memory_space<vmem>> -> memref<1x100xi32, #tpu.memory_space<vmem>>
        %dma_start3A_71 = tpu.memref_squeeze %dma_start3A_70 : memref<1x100xi32, #tpu.memory_space<vmem>> -> memref<100xi32, #tpu.memory_space<vmem>>
        %dma_start3A_72 = arith.constant 0 : i32
        %dma_start3A_73 = arith.constant 0 : i32
        %dma_start3A_74 = tpu.memref_slice %arg14[%dma_start3A_72, %dma_start3A_73] : memref<10000x128xf32, #tpu.memory_space<vmem_shared>> -> memref<10000x128xf32, #tpu.memory_space<vmem_shared>>
        tpu.enqueue_indirect_dma source(%arg8 : memref<100x128xf32, #tpu.memory_space<vmem>>) target(%dma_start3A_74 : memref<10000x128xf32, #tpu.memory_space<vmem_shared>>) offsets(%dma_start3A_71 : memref<100xi32, #tpu.memory_space<vmem>>) semaphore(%run_scoped3A_68 : memref<!tpu.dma_semaphore, #tpu.memory_space<semaphore_mem>>) {add = true}
        %dma_wait3A_75 = arith.constant 0 : i32
        %dma_wait3A_76 = tpu.memref_slice %arg7[%mul3A_44, %dma_wait3A_75] : memref<100x100xi32, #tpu.memory_space<vmem>> -> memref<1x100xi32, #tpu.memory_space<vmem>>
        %dma_wait3A_77 = tpu.memref_squeeze %dma_wait3A_76 : memref<1x100xi32, #tpu.memory_space<vmem>> -> memref<100xi32, #tpu.memory_space<vmem>>
        %dma_wait3A_78 = arith.constant 0 : i32
        %dma_wait3A_79 = arith.constant 0 : i32
        %dma_wait3A_80 = tpu.memref_slice %arg14[%dma_wait3A_78, %dma_wait3A_79] : memref<10000x128xf32, #tpu.memory_space<vmem_shared>> -> memref<10000x128xf32, #tpu.memory_space<vmem_shared>>
        tpu.wait_indirect_dma semaphore(%run_scoped3A_68 : memref<!tpu.dma_semaphore, #tpu.memory_space<semaphore_mem>>) src(%arg8 : memref<100x128xf32, #tpu.memory_space<vmem>>) dst(%dma_wait3A_80 : memref<10000x128xf32, #tpu.memory_space<vmem_shared>>)
        tpu.yield
      }) : () -> ()
      %lt3A = arith.constant 49 : i32
      %lt3A_45 = arith.cmpi slt, %scan3A_35, %lt3A : i32
      %convert_element_type3A_46 = arith.extui %lt3A_45 : i1 to i32
      %cond3A_47 = arith.constant 0 : i32
      %cond3A_48 = arith.cmpi ne, %convert_element_type3A_46, %cond3A_47 : i32
      scf.if %cond3A_48 {
        %mul3A_68 = arith.constant 2 : i32
        %mul3A_69 = arith.muli %mul3A_68, %scan3A_35 : i32
        %add3A_70 = arith.constant 2 : i32
        %add3A_71 = arith.addi %mul3A_69, %add3A_70 : i32
        %dma_start3A_72 = arith.constant 0 : i32
        %dma_start3A_73 = tpu.memref_slice %arg6[%add3A_71, %dma_start3A_72] : memref<100x100xi32, #tpu.memory_space<vmem>> -> memref<1x100xi32, #tpu.memory_space<vmem>>
        %dma_start3A_74 = tpu.memref_squeeze %dma_start3A_73 : memref<1x100xi32, #tpu.memory_space<vmem>> -> memref<100xi32, #tpu.memory_space<vmem>>
        %dma_start3A_75 = arith.constant 0 : i32
        %dma_start3A_76 = arith.constant 0 : i32
        %dma_start3A_77 = tpu.memref_slice %arg2[%dma_start3A_75, %dma_start3A_76] : memref<10000x128xf32, #tpu.memory_space<hbm>> -> memref<10000x128xf32, #tpu.memory_space<hbm>>
        tpu.enqueue_indirect_dma source(%dma_start3A_77 : memref<10000x128xf32, #tpu.memory_space<hbm>>) target(%arg8 : memref<100x128xf32, #tpu.memory_space<vmem>>) offsets(%dma_start3A_74 : memref<100xi32, #tpu.memory_space<vmem>>) semaphore(%arg10 : memref<!tpu.dma_semaphore, #tpu.memory_space<semaphore_mem>>)
      } else {
      }
      %mul3A_49 = arith.constant 2 : i32
      %mul3A_50 = arith.muli %mul3A_49, %scan3A_35 : i32
      %add3A_51 = arith.constant 1 : i32
      %add3A_52 = arith.addi %mul3A_50, %add3A_51 : i32
      %dma_wait3A_53 = arith.constant 0 : i32
      %dma_wait3A_54 = tpu.memref_slice %arg6[%add3A_52, %dma_wait3A_53] : memref<100x100xi32, #tpu.memory_space<vmem>> -> memref<1x100xi32, #tpu.memory_space<vmem>>
      %dma_wait3A_55 = tpu.memref_squeeze %dma_wait3A_54 : memref<1x100xi32, #tpu.memory_space<vmem>> -> memref<100xi32, #tpu.memory_space<vmem>>
      %dma_wait3A_56 = arith.constant 0 : i32
      %dma_wait3A_57 = arith.constant 0 : i32
      %dma_wait3A_58 = tpu.memref_slice %arg2[%dma_wait3A_56, %dma_wait3A_57] : memref<10000x128xf32, #tpu.memory_space<hbm>> -> memref<10000x128xf32, #tpu.memory_space<hbm>>
      tpu.wait_indirect_dma semaphore(%arg11 : memref<!tpu.dma_semaphore, #tpu.memory_space<semaphore_mem>>) src(%dma_wait3A_58 : memref<10000x128xf32, #tpu.memory_space<hbm>>) dst(%arg9 : memref<100x128xf32, #tpu.memory_space<vmem>>)
      %mul3A_59 = arith.constant 2 : i32
      %mul3A_60 = arith.muli %mul3A_59, %scan3A_35 : i32
      %add3A_61 = arith.constant 1 : i32
      %add3A_62 = arith.addi %mul3A_60, %add3A_61 : i32
      "tpu.region"() ({
        %run_scoped3A_68 = tpu.sem_alloc : memref<!tpu.dma_semaphore, #tpu.memory_space<semaphore_mem>>
        %dma_start3A_69 = arith.constant 0 : i32
        %dma_start3A_70 = tpu.memref_slice %arg7[%add3A_62, %dma_start3A_69] : memref<100x100xi32, #tpu.memory_space<vmem>> -> memref<1x100xi32, #tpu.memory_space<vmem>>
        %dma_start3A_71 = tpu.memref_squeeze %dma_start3A_70 : memref<1x100xi32, #tpu.memory_space<vmem>> -> memref<100xi32, #tpu.memory_space<vmem>>
        %dma_start3A_72 = arith.constant 0 : i32
        %dma_start3A_73 = arith.constant 0 : i32
        %dma_start3A_74 = tpu.memref_slice %arg14[%dma_start3A_72, %dma_start3A_73] : memref<10000x128xf32, #tpu.memory_space<vmem_shared>> -> memref<10000x128xf32, #tpu.memory_space<vmem_shared>>
        tpu.enqueue_indirect_dma source(%arg9 : memref<100x128xf32, #tpu.memory_space<vmem>>) target(%dma_start3A_74 : memref<10000x128xf32, #tpu.memory_space<vmem_shared>>) offsets(%dma_start3A_71 : memref<100xi32, #tpu.memory_space<vmem>>) semaphore(%run_scoped3A_68 : memref<!tpu.dma_semaphore, #tpu.memory_space<semaphore_mem>>) {add = true}
        %dma_wait3A_75 = arith.constant 0 : i32
        %dma_wait3A_76 = tpu.memref_slice %arg7[%add3A_62, %dma_wait3A_75] : memref<100x100xi32, #tpu.memory_space<vmem>> -> memref<1x100xi32, #tpu.memory_space<vmem>>
        %dma_wait3A_77 = tpu.memref_squeeze %dma_wait3A_76 : memref<1x100xi32, #tpu.memory_space<vmem>> -> memref<100xi32, #tpu.memory_space<vmem>>
        %dma_wait3A_78 = arith.constant 0 : i32
        %dma_wait3A_79 = arith.constant 0 : i32
        %dma_wait3A_80 = tpu.memref_slice %arg14[%dma_wait3A_78, %dma_wait3A_79] : memref<10000x128xf32, #tpu.memory_space<vmem_shared>> -> memref<10000x128xf32, #tpu.memory_space<vmem_shared>>
        tpu.wait_indirect_dma semaphore(%run_scoped3A_68 : memref<!tpu.dma_semaphore, #tpu.memory_space<semaphore_mem>>) src(%arg9 : memref<100x128xf32, #tpu.memory_space<vmem>>) dst(%dma_wait3A_80 : memref<10000x128xf32, #tpu.memory_space<vmem_shared>>)
        tpu.yield
      }) : () -> ()
      %lt3A_63 = arith.constant 49 : i32
      %lt3A_64 = arith.cmpi slt, %scan3A_35, %lt3A_63 : i32
      %convert_element_type3A_65 = arith.extui %lt3A_64 : i1 to i32
      %cond3A_66 = arith.constant 0 : i32
      %cond3A_67 = arith.cmpi ne, %convert_element_type3A_65, %cond3A_66 : i32
      scf.if %cond3A_67 {
        %mul3A_68 = arith.constant 2 : i32
        %mul3A_69 = arith.muli %mul3A_68, %scan3A_35 : i32
        %add3A_70 = arith.constant 3 : i32
        %add3A_71 = arith.addi %mul3A_69, %add3A_70 : i32
        %dma_start3A_72 = arith.constant 0 : i32
        %dma_start3A_73 = tpu.memref_slice %arg6[%add3A_71, %dma_start3A_72] : memref<100x100xi32, #tpu.memory_space<vmem>> -> memref<1x100xi32, #tpu.memory_space<vmem>>
        %dma_start3A_74 = tpu.memref_squeeze %dma_start3A_73 : memref<1x100xi32, #tpu.memory_space<vmem>> -> memref<100xi32, #tpu.memory_space<vmem>>
        %dma_start3A_75 = arith.constant 0 : i32
        %dma_start3A_76 = arith.constant 0 : i32
        %dma_start3A_77 = tpu.memref_slice %arg2[%dma_start3A_75, %dma_start3A_76] : memref<10000x128xf32, #tpu.memory_space<hbm>> -> memref<10000x128xf32, #tpu.memory_space<hbm>>
        tpu.enqueue_indirect_dma source(%dma_start3A_77 : memref<10000x128xf32, #tpu.memory_space<hbm>>) target(%arg9 : memref<100x128xf32, #tpu.memory_space<vmem>>) offsets(%dma_start3A_74 : memref<100xi32, #tpu.memory_space<vmem>>) semaphore(%arg11 : memref<!tpu.dma_semaphore, #tpu.memory_space<semaphore_mem>>)
      } else {
      }
    }
    %scan3A_25 = arith.constant 50 : i32
    %barrier3A_26 = arith.constant 0 : index
    tpu.barrier barrier_id(%barrier3A_26)
    %mul3A_27 = arith.constant 10000 : i32
    %mul3A_28 = arith.muli %arg0, %mul3A_27 : i32
    %add3A_29 = arith.addi %mul3A_28, %mul3A_0 : i32
    "tpu.region"() ({
      %run_scoped3A_35 = tpu.sem_alloc : memref<!tpu.dma_semaphore, #tpu.memory_space<semaphore_mem>>
      %dma_start3A_36 = arith.constant 0 : i32
      %dma_start3A_37 = tpu.memref_slice %arg5[%add3A_29, %dma_start3A_36] : memref<20000x128xf32, #tpu.memory_space<hbm>> -> memref<624x128xf32, #tpu.memory_space<hbm>>
      %dma_start3A_38 = arith.constant 0 : i32
      %dma_start3A_39 = tpu.memref_slice %arg14[%mul3A_0, %dma_start3A_38] : memref<10000x128xf32, #tpu.memory_space<vmem_shared>> -> memref<624x128xf32, #tpu.memory_space<vmem_shared>>
      tpu.enqueue_dma source(%dma_start3A_39 : memref<624x128xf32, #tpu.memory_space<vmem_shared>>) target(%dma_start3A_37 : memref<624x128xf32, #tpu.memory_space<hbm>>) target_semaphore(%run_scoped3A_35 : memref<!tpu.dma_semaphore, #tpu.memory_space<semaphore_mem>>)
      %dma_wait3A = arith.constant 0 : i32
      %dma_wait3A_40 = tpu.memref_slice %arg5[%add3A_29, %dma_wait3A] : memref<20000x128xf32, #tpu.memory_space<hbm>> -> memref<624x128xf32, #tpu.memory_space<hbm>>
      %dma_wait3A_41 = arith.constant 0 : i32
      %dma_wait3A_42 = tpu.memref_slice %arg14[%mul3A_0, %dma_wait3A_41] : memref<10000x128xf32, #tpu.memory_space<vmem_shared>> -> memref<624x128xf32, #tpu.memory_space<vmem_shared>>
      tpu.wait_dma2 semaphore(%run_scoped3A_35 : memref<!tpu.dma_semaphore, #tpu.memory_space<semaphore_mem>>) src(%dma_wait3A_42 : memref<624x128xf32, #tpu.memory_space<vmem_shared>>) dst(%dma_wait3A_40 : memref<624x128xf32, #tpu.memory_space<hbm>>)
      tpu.yield
    }) : () -> ()
    %eq3A_30 = arith.constant 15 : i32
    %eq3A_31 = arith.cmpi eq, %arg1, %eq3A_30 : i32
    %convert_element_type3A_32 = arith.extui %eq3A_31 : i1 to i32
    %cond3A_33 = arith.constant 0 : i32
    %cond3A_34 = arith.cmpi ne, %convert_element_type3A_32, %cond3A_33 : i32
    scf.if %cond3A_34 {
      %mul3A_35 = arith.constant 10000 : i32
      %mul3A_36 = arith.muli %arg0, %mul3A_35 : i32
      %add3A_37 = arith.constant 9984 : i32
      %add3A_38 = arith.addi %mul3A_36, %add3A_37 : i32
      "tpu.region"() ({
        %run_scoped3A_39 = tpu.sem_alloc : memref<!tpu.dma_semaphore, #tpu.memory_space<semaphore_mem>>
        %dma_start3A_40 = arith.constant 0 : i32
        %dma_start3A_41 = tpu.memref_slice %arg5[%add3A_38, %dma_start3A_40] : memref<20000x128xf32, #tpu.memory_space<hbm>> -> memref<16x128xf32, #tpu.memory_space<hbm>>
        %dma_start3A_42 = arith.constant 9984 : i32
        %dma_start3A_43 = arith.constant 0 : i32
        %dma_start3A_44 = tpu.memref_slice %arg14[%dma_start3A_42, %dma_start3A_43] : memref<10000x128xf32, #tpu.memory_space<vmem_shared>> -> memref<16x128xf32, #tpu.memory_space<vmem_shared>>
        tpu.enqueue_dma source(%dma_start3A_44 : memref<16x128xf32, #tpu.memory_space<vmem_shared>>) target(%dma_start3A_41 : memref<16x128xf32, #tpu.memory_space<hbm>>) target_semaphore(%run_scoped3A_39 : memref<!tpu.dma_semaphore, #tpu.memory_space<semaphore_mem>>)
        %dma_wait3A = arith.constant 0 : i32
        %dma_wait3A_45 = tpu.memref_slice %arg5[%add3A_38, %dma_wait3A] : memref<20000x128xf32, #tpu.memory_space<hbm>> -> memref<16x128xf32, #tpu.memory_space<hbm>>
        %dma_wait3A_46 = arith.constant 9984 : i32
        %dma_wait3A_47 = arith.constant 0 : i32
        %dma_wait3A_48 = tpu.memref_slice %arg14[%dma_wait3A_46, %dma_wait3A_47] : memref<10000x128xf32, #tpu.memory_space<vmem_shared>> -> memref<16x128xf32, #tpu.memory_space<vmem_shared>>
        tpu.wait_dma2 semaphore(%run_scoped3A_39 : memref<!tpu.dma_semaphore, #tpu.memory_space<semaphore_mem>>) src(%dma_wait3A_48 : memref<16x128xf32, #tpu.memory_space<vmem_shared>>) dst(%dma_wait3A_45 : memref<16x128xf32, #tpu.memory_space<hbm>>)
        tpu.yield
      }) : () -> ()
    } else {
    }
    return
  }
}

#map = affine_map<(d0, d1) -> (0, 0)>
#map1 = affine_map<(d0, d1) -> (0, 0, 0)>
module attributes {stable_mosaic.version = 14 : i64} {
  func.func @_agg_kernel(%arg0: i32, %arg1: i32, %arg2: memref<10000x128xf32, #tpu.memory_space<hbm>>, %arg3: memref<2x3200x100xi32, #tpu.memory_space<hbm>>, %arg4: memref<10000x128xf32, #tpu.memory_space<hbm>>, %arg5: memref<20000x128xf32, #tpu.memory_space<hbm>>, %arg6: memref<100x100xi32, #tpu.memory_space<vmem>>, %arg7: memref<100x100xi32, #tpu.memory_space<vmem>>, %arg8: memref<100x128xf32, #tpu.memory_space<vmem>>, %arg9: memref<100x128xf32, #tpu.memory_space<vmem>>, %arg10: memref<!tpu.dma_semaphore, #tpu.memory_space<semaphore_mem>>, %arg11: memref<!tpu.dma_semaphore, #tpu.memory_space<semaphore_mem>>, %arg12: memref<!tpu.dma_semaphore, #tpu.memory_space<semaphore_mem>>, %arg13: memref<!tpu.dma_semaphore, #tpu.memory_space<semaphore_mem>>, %arg14: memref<10000x128xf32, #tpu.memory_space<vmem_shared>>) attributes {dimension_semantics = [#tpu.dimension_semantics<core_parallel>, #tpu.dimension_semantics<subcore_parallel>], iteration_bounds = array<i64: 2, 16>, scalar_prefetch = 0 : i64, scratch_operands = 9 : i64, tpu.core_type = #tpu.core_type<sc_vector_subcore>, window_params = [{transform_indices = #map}, {transform_indices = #map1}, {transform_indices = #map}, {transform_indices = #map}]} {
    %mul3A = arith.constant 624 : i32
    %mul3A_0 = arith.muli %arg1, %mul3A : i32
    "tpu.region"() ({
      %run_scoped3A_35 = tpu.sem_alloc : memref<!tpu.dma_semaphore, #tpu.memory_space<semaphore_mem>>
      %dma_start3A_36 = arith.constant 0 : i32
      %dma_start3A_37 = tpu.memref_slice %arg14[%mul3A_0, %dma_start3A_36] : memref<10000x128xf32, #tpu.memory_space<vmem_shared>> -> memref<624x128xf32, #tpu.memory_space<vmem_shared>>
      %dma_start3A_38 = arith.constant 0 : i32
      %dma_start3A_39 = tpu.memref_slice %arg4[%mul3A_0, %dma_start3A_38] : memref<10000x128xf32, #tpu.memory_space<hbm>> -> memref<624x128xf32, #tpu.memory_space<hbm>>
      tpu.enqueue_dma source(%dma_start3A_39 : memref<624x128xf32, #tpu.memory_space<hbm>>) target(%dma_start3A_37 : memref<624x128xf32, #tpu.memory_space<vmem_shared>>) target_semaphore(%run_scoped3A_35 : memref<!tpu.dma_semaphore, #tpu.memory_space<semaphore_mem>>)
      %dma_wait3A = arith.constant 0 : i32
      %dma_wait3A_40 = tpu.memref_slice %arg14[%mul3A_0, %dma_wait3A] : memref<10000x128xf32, #tpu.memory_space<vmem_shared>> -> memref<624x128xf32, #tpu.memory_space<vmem_shared>>
      %dma_wait3A_41 = arith.constant 0 : i32
      %dma_wait3A_42 = tpu.memref_slice %arg4[%mul3A_0, %dma_wait3A_41] : memref<10000x128xf32, #tpu.memory_space<hbm>> -> memref<624x128xf32, #tpu.memory_space<hbm>>
      tpu.wait_dma2 semaphore(%run_scoped3A_35 : memref<!tpu.dma_semaphore, #tpu.memory_space<semaphore_mem>>) src(%dma_wait3A_42 : memref<624x128xf32, #tpu.memory_space<hbm>>) dst(%dma_wait3A_40 : memref<624x128xf32, #tpu.memory_space<vmem_shared>>)
      tpu.yield
    }) : () -> ()
    %eq3A = arith.constant 15 : i32
    %eq3A_1 = arith.cmpi eq, %arg1, %eq3A : i32
    %convert_element_type3A = arith.extui %eq3A_1 : i1 to i32
    %cond3A = arith.constant 0 : i32
    %cond3A_2 = arith.cmpi ne, %convert_element_type3A, %cond3A : i32
    scf.if %cond3A_2 {
      "tpu.region"() ({
        %run_scoped3A_35 = tpu.sem_alloc : memref<!tpu.dma_semaphore, #tpu.memory_space<semaphore_mem>>
        %dma_start3A_36 = arith.constant 9984 : i32
        %dma_start3A_37 = arith.constant 0 : i32
        %dma_start3A_38 = tpu.memref_slice %arg14[%dma_start3A_36, %dma_start3A_37] : memref<10000x128xf32, #tpu.memory_space<vmem_shared>> -> memref<16x128xf32, #tpu.memory_space<vmem_shared>>
        %dma_start3A_39 = arith.constant 9984 : i32
        %dma_start3A_40 = arith.constant 0 : i32
        %dma_start3A_41 = tpu.memref_slice %arg4[%dma_start3A_39, %dma_start3A_40] : memref<10000x128xf32, #tpu.memory_space<hbm>> -> memref<16x128xf32, #tpu.memory_space<hbm>>
        tpu.enqueue_dma source(%dma_start3A_41 : memref<16x128xf32, #tpu.memory_space<hbm>>) target(%dma_start3A_38 : memref<16x128xf32, #tpu.memory_space<vmem_shared>>) target_semaphore(%run_scoped3A_35 : memref<!tpu.dma_semaphore, #tpu.memory_space<semaphore_mem>>)
        %dma_wait3A = arith.constant 9984 : i32
        %dma_wait3A_42 = arith.constant 0 : i32
        %dma_wait3A_43 = tpu.memref_slice %arg14[%dma_wait3A, %dma_wait3A_42] : memref<10000x128xf32, #tpu.memory_space<vmem_shared>> -> memref<16x128xf32, #tpu.memory_space<vmem_shared>>
        %dma_wait3A_44 = arith.constant 9984 : i32
        %dma_wait3A_45 = arith.constant 0 : i32
        %dma_wait3A_46 = tpu.memref_slice %arg4[%dma_wait3A_44, %dma_wait3A_45] : memref<10000x128xf32, #tpu.memory_space<hbm>> -> memref<16x128xf32, #tpu.memory_space<hbm>>
        tpu.wait_dma2 semaphore(%run_scoped3A_35 : memref<!tpu.dma_semaphore, #tpu.memory_space<semaphore_mem>>) src(%dma_wait3A_46 : memref<16x128xf32, #tpu.memory_space<hbm>>) dst(%dma_wait3A_43 : memref<16x128xf32, #tpu.memory_space<vmem_shared>>)
        tpu.yield
      }) : () -> ()
    } else {
    }
    %mul3A_3 = arith.constant 16 : i32
    %mul3A_4 = arith.muli %arg0, %mul3A_3 : i32
    %add3A = arith.addi %mul3A_4, %arg1 : i32
    %mul3A_5 = arith.constant 100 : i32
    %mul3A_6 = arith.muli %add3A, %mul3A_5 : i32
    %run_scoped3A = arith.constant 0 : i32
    "tpu.region"() ({
      %run_scoped3A_35 = tpu.sem_alloc : memref<!tpu.dma_semaphore, #tpu.memory_space<semaphore_mem>>
      %dma_start3A_36 = arith.constant 0 : i32
      %dma_start3A_37 = tpu.memref_slice %arg3[%run_scoped3A, %mul3A_6, %dma_start3A_36] : memref<2x3200x100xi32, #tpu.memory_space<hbm>> -> memref<1x100x100xi32, #tpu.memory_space<hbm>>
      %dma_start3A_38 = tpu.memref_squeeze %dma_start3A_37 : memref<1x100x100xi32, #tpu.memory_space<hbm>> -> memref<100x100xi32, #tpu.memory_space<hbm>>
      %dma_start3A_39 = arith.constant 0 : i32
      %dma_start3A_40 = tpu.memref_slice %arg3[%run_scoped3A, %mul3A_6, %dma_start3A_39] : memref<2x3200x100xi32, #tpu.memory_space<hbm>> -> memref<1x100x100xi32, #tpu.memory_space<hbm>>
      %dma_start3A_41 = tpu.memref_squeeze %dma_start3A_40 : memref<1x100x100xi32, #tpu.memory_space<hbm>> -> memref<100x100xi32, #tpu.memory_space<hbm>>
      tpu.enqueue_dma source(%dma_start3A_41 : memref<100x100xi32, #tpu.memory_space<hbm>>) target(%arg6 : memref<100x100xi32, #tpu.memory_space<vmem>>) target_semaphore(%run_scoped3A_35 : memref<!tpu.dma_semaphore, #tpu.memory_space<semaphore_mem>>)
      %dma_wait3A = arith.constant 0 : i32
      %dma_wait3A_42 = tpu.memref_slice %arg3[%run_scoped3A, %mul3A_6, %dma_wait3A] : memref<2x3200x100xi32, #tpu.memory_space<hbm>> -> memref<1x100x100xi32, #tpu.memory_space<hbm>>
      %dma_wait3A_43 = tpu.memref_squeeze %dma_wait3A_42 : memref<1x100x100xi32, #tpu.memory_space<hbm>> -> memref<100x100xi32, #tpu.memory_space<hbm>>
      %dma_wait3A_44 = arith.constant 0 : i32
      %dma_wait3A_45 = tpu.memref_slice %arg3[%run_scoped3A, %mul3A_6, %dma_wait3A_44] : memref<2x3200x100xi32, #tpu.memory_space<hbm>> -> memref<1x100x100xi32, #tpu.memory_space<hbm>>
      %dma_wait3A_46 = tpu.memref_squeeze %dma_wait3A_45 : memref<1x100x100xi32, #tpu.memory_space<hbm>> -> memref<100x100xi32, #tpu.memory_space<hbm>>
      tpu.wait_dma2 semaphore(%run_scoped3A_35 : memref<!tpu.dma_semaphore, #tpu.memory_space<semaphore_mem>>) src(%dma_wait3A_46 : memref<100x100xi32, #tpu.memory_space<hbm>>) dst(%arg6 : memref<100x100xi32, #tpu.memory_space<vmem>>)
      tpu.yield
    }) : () -> ()
    %run_scoped3A_7 = arith.constant 1 : i32
    "tpu.region"() ({
      %run_scoped3A_35 = tpu.sem_alloc : memref<!tpu.dma_semaphore, #tpu.memory_space<semaphore_mem>>
      %dma_start3A_36 = arith.constant 0 : i32
      %dma_start3A_37 = tpu.memref_slice %arg3[%run_scoped3A_7, %mul3A_6, %dma_start3A_36] : memref<2x3200x100xi32, #tpu.memory_space<hbm>> -> memref<1x100x100xi32, #tpu.memory_space<hbm>>
      %dma_start3A_38 = tpu.memref_squeeze %dma_start3A_37 : memref<1x100x100xi32, #tpu.memory_space<hbm>> -> memref<100x100xi32, #tpu.memory_space<hbm>>
      %dma_start3A_39 = arith.constant 0 : i32
      %dma_start3A_40 = tpu.memref_slice %arg3[%run_scoped3A_7, %mul3A_6, %dma_start3A_39] : memref<2x3200x100xi32, #tpu.memory_space<hbm>> -> memref<1x100x100xi32, #tpu.memory_space<hbm>>
      %dma_start3A_41 = tpu.memref_squeeze %dma_start3A_40 : memref<1x100x100xi32, #tpu.memory_space<hbm>> -> memref<100x100xi32, #tpu.memory_space<hbm>>
      tpu.enqueue_dma source(%dma_start3A_41 : memref<100x100xi32, #tpu.memory_space<hbm>>) target(%arg7 : memref<100x100xi32, #tpu.memory_space<vmem>>) target_semaphore(%run_scoped3A_35 : memref<!tpu.dma_semaphore, #tpu.memory_space<semaphore_mem>>)
      %dma_wait3A = arith.constant 0 : i32
      %dma_wait3A_42 = tpu.memref_slice %arg3[%run_scoped3A_7, %mul3A_6, %dma_wait3A] : memref<2x3200x100xi32, #tpu.memory_space<hbm>> -> memref<1x100x100xi32, #tpu.memory_space<hbm>>
      %dma_wait3A_43 = tpu.memref_squeeze %dma_wait3A_42 : memref<1x100x100xi32, #tpu.memory_space<hbm>> -> memref<100x100xi32, #tpu.memory_space<hbm>>
      %dma_wait3A_44 = arith.constant 0 : i32
      %dma_wait3A_45 = tpu.memref_slice %arg3[%run_scoped3A_7, %mul3A_6, %dma_wait3A_44] : memref<2x3200x100xi32, #tpu.memory_space<hbm>> -> memref<1x100x100xi32, #tpu.memory_space<hbm>>
      %dma_wait3A_46 = tpu.memref_squeeze %dma_wait3A_45 : memref<1x100x100xi32, #tpu.memory_space<hbm>> -> memref<100x100xi32, #tpu.memory_space<hbm>>
      tpu.wait_dma2 semaphore(%run_scoped3A_35 : memref<!tpu.dma_semaphore, #tpu.memory_space<semaphore_mem>>) src(%dma_wait3A_46 : memref<100x100xi32, #tpu.memory_space<hbm>>) dst(%arg7 : memref<100x100xi32, #tpu.memory_space<vmem>>)
      tpu.yield
    }) : () -> ()
    %dma_start3A = arith.constant 0 : i32
    %dma_start3A_8 = arith.constant 0 : i32
    %dma_start3A_9 = tpu.memref_slice %arg6[%dma_start3A, %dma_start3A_8] : memref<100x100xi32, #tpu.memory_space<vmem>> -> memref<1x100xi32, #tpu.memory_space<vmem>>
    %dma_start3A_10 = tpu.memref_squeeze %dma_start3A_9 : memref<1x100xi32, #tpu.memory_space<vmem>> -> memref<100xi32, #tpu.memory_space<vmem>>
    %dma_start3A_11 = arith.constant 0 : i32
    %dma_start3A_12 = arith.constant 0 : i32
    %dma_start3A_13 = tpu.memref_slice %arg2[%dma_start3A_11, %dma_start3A_12] : memref<10000x128xf32, #tpu.memory_space<hbm>> -> memref<10000x128xf32, #tpu.memory_space<hbm>>
    tpu.enqueue_indirect_dma source(%dma_start3A_13 : memref<10000x128xf32, #tpu.memory_space<hbm>>) target(%arg8 : memref<100x128xf32, #tpu.memory_space<vmem>>) offsets(%dma_start3A_10 : memref<100xi32, #tpu.memory_space<vmem>>) semaphore(%arg10 : memref<!tpu.dma_semaphore, #tpu.memory_space<semaphore_mem>>)
    %dma_start3A_14 = arith.constant 1 : i32
    %dma_start3A_15 = arith.constant 0 : i32
    %dma_start3A_16 = tpu.memref_slice %arg6[%dma_start3A_14, %dma_start3A_15] : memref<100x100xi32, #tpu.memory_space<vmem>> -> memref<1x100xi32, #tpu.memory_space<vmem>>
    %dma_start3A_17 = tpu.memref_squeeze %dma_start3A_16 : memref<1x100xi32, #tpu.memory_space<vmem>> -> memref<100xi32, #tpu.memory_space<vmem>>
    %dma_start3A_18 = arith.constant 0 : i32
    %dma_start3A_19 = arith.constant 0 : i32
    %dma_start3A_20 = tpu.memref_slice %arg2[%dma_start3A_18, %dma_start3A_19] : memref<10000x128xf32, #tpu.memory_space<hbm>> -> memref<10000x128xf32, #tpu.memory_space<hbm>>
    tpu.enqueue_indirect_dma source(%dma_start3A_20 : memref<10000x128xf32, #tpu.memory_space<hbm>>) target(%arg9 : memref<100x128xf32, #tpu.memory_space<vmem>>) offsets(%dma_start3A_17 : memref<100xi32, #tpu.memory_space<vmem>>) semaphore(%arg11 : memref<!tpu.dma_semaphore, #tpu.memory_space<semaphore_mem>>)
    %barrier3A = arith.constant 0 : index
    tpu.barrier barrier_id(%barrier3A)
    %scan3A = arith.constant 0 : i32
    %scan3A_21 = arith.constant 0 : i32
    %scan3A_22 = arith.constant 50 : i32
    %scan3A_23 = arith.addi %scan3A_21, %scan3A_22 : i32
    %scan3A_24 = arith.constant 1 : i32
    scf.for %scan3A_35 = %scan3A_21 to %scan3A_23 step %scan3A_24  : i32 {
      %mul3A_36 = arith.constant 2 : i32
      %mul3A_37 = arith.muli %mul3A_36, %scan3A_35 : i32
      %dma_wait3A = arith.constant 0 : i32
      %dma_wait3A_38 = tpu.memref_slice %arg6[%mul3A_37, %dma_wait3A] : memref<100x100xi32, #tpu.memory_space<vmem>> -> memref<1x100xi32, #tpu.memory_space<vmem>>
      %dma_wait3A_39 = tpu.memref_squeeze %dma_wait3A_38 : memref<1x100xi32, #tpu.memory_space<vmem>> -> memref<100xi32, #tpu.memory_space<vmem>>
      %dma_wait3A_40 = arith.constant 0 : i32
      %dma_wait3A_41 = arith.constant 0 : i32
      %dma_wait3A_42 = tpu.memref_slice %arg2[%dma_wait3A_40, %dma_wait3A_41] : memref<10000x128xf32, #tpu.memory_space<hbm>> -> memref<10000x128xf32, #tpu.memory_space<hbm>>
      tpu.wait_indirect_dma semaphore(%arg10 : memref<!tpu.dma_semaphore, #tpu.memory_space<semaphore_mem>>) src(%dma_wait3A_42 : memref<10000x128xf32, #tpu.memory_space<hbm>>) dst(%arg8 : memref<100x128xf32, #tpu.memory_space<vmem>>)
      %mul3A_43 = arith.constant 2 : i32
      %mul3A_44 = arith.muli %mul3A_43, %scan3A_35 : i32
      "tpu.region"() ({
        %run_scoped3A_68 = tpu.sem_alloc : memref<!tpu.dma_semaphore, #tpu.memory_space<semaphore_mem>>
        %dma_start3A_69 = arith.constant 0 : i32
        %dma_start3A_70 = tpu.memref_slice %arg7[%mul3A_44, %dma_start3A_69] : memref<100x100xi32, #tpu.memory_space<vmem>> -> memref<1x100xi32, #tpu.memory_space<vmem>>
        %dma_start3A_71 = tpu.memref_squeeze %dma_start3A_70 : memref<1x100xi32, #tpu.memory_space<vmem>> -> memref<100xi32, #tpu.memory_space<vmem>>
        %dma_start3A_72 = arith.constant 0 : i32
        %dma_start3A_73 = arith.constant 0 : i32
        %dma_start3A_74 = tpu.memref_slice %arg14[%dma_start3A_72, %dma_start3A_73] : memref<10000x128xf32, #tpu.memory_space<vmem_shared>> -> memref<10000x128xf32, #tpu.memory_space<vmem_shared>>
        tpu.enqueue_indirect_dma source(%arg8 : memref<100x128xf32, #tpu.memory_space<vmem>>) target(%dma_start3A_74 : memref<10000x128xf32, #tpu.memory_space<vmem_shared>>) offsets(%dma_start3A_71 : memref<100xi32, #tpu.memory_space<vmem>>) semaphore(%run_scoped3A_68 : memref<!tpu.dma_semaphore, #tpu.memory_space<semaphore_mem>>) {add = true}
        %dma_wait3A_75 = arith.constant 0 : i32
        %dma_wait3A_76 = tpu.memref_slice %arg7[%mul3A_44, %dma_wait3A_75] : memref<100x100xi32, #tpu.memory_space<vmem>> -> memref<1x100xi32, #tpu.memory_space<vmem>>
        %dma_wait3A_77 = tpu.memref_squeeze %dma_wait3A_76 : memref<1x100xi32, #tpu.memory_space<vmem>> -> memref<100xi32, #tpu.memory_space<vmem>>
        %dma_wait3A_78 = arith.constant 0 : i32
        %dma_wait3A_79 = arith.constant 0 : i32
        %dma_wait3A_80 = tpu.memref_slice %arg14[%dma_wait3A_78, %dma_wait3A_79] : memref<10000x128xf32, #tpu.memory_space<vmem_shared>> -> memref<10000x128xf32, #tpu.memory_space<vmem_shared>>
        tpu.wait_indirect_dma semaphore(%run_scoped3A_68 : memref<!tpu.dma_semaphore, #tpu.memory_space<semaphore_mem>>) src(%arg8 : memref<100x128xf32, #tpu.memory_space<vmem>>) dst(%dma_wait3A_80 : memref<10000x128xf32, #tpu.memory_space<vmem_shared>>)
        tpu.yield
      }) : () -> ()
      %lt3A = arith.constant 49 : i32
      %lt3A_45 = arith.cmpi slt, %scan3A_35, %lt3A : i32
      %convert_element_type3A_46 = arith.extui %lt3A_45 : i1 to i32
      %cond3A_47 = arith.constant 0 : i32
      %cond3A_48 = arith.cmpi ne, %convert_element_type3A_46, %cond3A_47 : i32
      scf.if %cond3A_48 {
        %mul3A_68 = arith.constant 2 : i32
        %mul3A_69 = arith.muli %mul3A_68, %scan3A_35 : i32
        %add3A_70 = arith.constant 2 : i32
        %add3A_71 = arith.addi %mul3A_69, %add3A_70 : i32
        %dma_start3A_72 = arith.constant 0 : i32
        %dma_start3A_73 = tpu.memref_slice %arg6[%add3A_71, %dma_start3A_72] : memref<100x100xi32, #tpu.memory_space<vmem>> -> memref<1x100xi32, #tpu.memory_space<vmem>>
        %dma_start3A_74 = tpu.memref_squeeze %dma_start3A_73 : memref<1x100xi32, #tpu.memory_space<vmem>> -> memref<100xi32, #tpu.memory_space<vmem>>
        %dma_start3A_75 = arith.constant 0 : i32
        %dma_start3A_76 = arith.constant 0 : i32
        %dma_start3A_77 = tpu.memref_slice %arg2[%dma_start3A_75, %dma_start3A_76] : memref<10000x128xf32, #tpu.memory_space<hbm>> -> memref<10000x128xf32, #tpu.memory_space<hbm>>
        tpu.enqueue_indirect_dma source(%dma_start3A_77 : memref<10000x128xf32, #tpu.memory_space<hbm>>) target(%arg8 : memref<100x128xf32, #tpu.memory_space<vmem>>) offsets(%dma_start3A_74 : memref<100xi32, #tpu.memory_space<vmem>>) semaphore(%arg10 : memref<!tpu.dma_semaphore, #tpu.memory_space<semaphore_mem>>)
      } else {
      }
      %mul3A_49 = arith.constant 2 : i32
      %mul3A_50 = arith.muli %mul3A_49, %scan3A_35 : i32
      %add3A_51 = arith.constant 1 : i32
      %add3A_52 = arith.addi %mul3A_50, %add3A_51 : i32
      %dma_wait3A_53 = arith.constant 0 : i32
      %dma_wait3A_54 = tpu.memref_slice %arg6[%add3A_52, %dma_wait3A_53] : memref<100x100xi32, #tpu.memory_space<vmem>> -> memref<1x100xi32, #tpu.memory_space<vmem>>
      %dma_wait3A_55 = tpu.memref_squeeze %dma_wait3A_54 : memref<1x100xi32, #tpu.memory_space<vmem>> -> memref<100xi32, #tpu.memory_space<vmem>>
      %dma_wait3A_56 = arith.constant 0 : i32
      %dma_wait3A_57 = arith.constant 0 : i32
      %dma_wait3A_58 = tpu.memref_slice %arg2[%dma_wait3A_56, %dma_wait3A_57] : memref<10000x128xf32, #tpu.memory_space<hbm>> -> memref<10000x128xf32, #tpu.memory_space<hbm>>
      tpu.wait_indirect_dma semaphore(%arg11 : memref<!tpu.dma_semaphore, #tpu.memory_space<semaphore_mem>>) src(%dma_wait3A_58 : memref<10000x128xf32, #tpu.memory_space<hbm>>) dst(%arg9 : memref<100x128xf32, #tpu.memory_space<vmem>>)
      %mul3A_59 = arith.constant 2 : i32
      %mul3A_60 = arith.muli %mul3A_59, %scan3A_35 : i32
      %add3A_61 = arith.constant 1 : i32
      %add3A_62 = arith.addi %mul3A_60, %add3A_61 : i32
      "tpu.region"() ({
        %run_scoped3A_68 = tpu.sem_alloc : memref<!tpu.dma_semaphore, #tpu.memory_space<semaphore_mem>>
        %dma_start3A_69 = arith.constant 0 : i32
        %dma_start3A_70 = tpu.memref_slice %arg7[%add3A_62, %dma_start3A_69] : memref<100x100xi32, #tpu.memory_space<vmem>> -> memref<1x100xi32, #tpu.memory_space<vmem>>
        %dma_start3A_71 = tpu.memref_squeeze %dma_start3A_70 : memref<1x100xi32, #tpu.memory_space<vmem>> -> memref<100xi32, #tpu.memory_space<vmem>>
        %dma_start3A_72 = arith.constant 0 : i32
        %dma_start3A_73 = arith.constant 0 : i32
        %dma_start3A_74 = tpu.memref_slice %arg14[%dma_start3A_72, %dma_start3A_73] : memref<10000x128xf32, #tpu.memory_space<vmem_shared>> -> memref<10000x128xf32, #tpu.memory_space<vmem_shared>>
        tpu.enqueue_indirect_dma source(%arg9 : memref<100x128xf32, #tpu.memory_space<vmem>>) target(%dma_start3A_74 : memref<10000x128xf32, #tpu.memory_space<vmem_shared>>) offsets(%dma_start3A_71 : memref<100xi32, #tpu.memory_space<vmem>>) semaphore(%run_scoped3A_68 : memref<!tpu.dma_semaphore, #tpu.memory_space<semaphore_mem>>) {add = true}
        %dma_wait3A_75 = arith.constant 0 : i32
        %dma_wait3A_76 = tpu.memref_slice %arg7[%add3A_62, %dma_wait3A_75] : memref<100x100xi32, #tpu.memory_space<vmem>> -> memref<1x100xi32, #tpu.memory_space<vmem>>
        %dma_wait3A_77 = tpu.memref_squeeze %dma_wait3A_76 : memref<1x100xi32, #tpu.memory_space<vmem>> -> memref<100xi32, #tpu.memory_space<vmem>>
        %dma_wait3A_78 = arith.constant 0 : i32
        %dma_wait3A_79 = arith.constant 0 : i32
        %dma_wait3A_80 = tpu.memref_slice %arg14[%dma_wait3A_78, %dma_wait3A_79] : memref<10000x128xf32, #tpu.memory_space<vmem_shared>> -> memref<10000x128xf32, #tpu.memory_space<vmem_shared>>
        tpu.wait_indirect_dma semaphore(%run_scoped3A_68 : memref<!tpu.dma_semaphore, #tpu.memory_space<semaphore_mem>>) src(%arg9 : memref<100x128xf32, #tpu.memory_space<vmem>>) dst(%dma_wait3A_80 : memref<10000x128xf32, #tpu.memory_space<vmem_shared>>)
        tpu.yield
      }) : () -> ()
      %lt3A_63 = arith.constant 49 : i32
      %lt3A_64 = arith.cmpi slt, %scan3A_35, %lt3A_63 : i32
      %convert_element_type3A_65 = arith.extui %lt3A_64 : i1 to i32
      %cond3A_66 = arith.constant 0 : i32
      %cond3A_67 = arith.cmpi ne, %convert_element_type3A_65, %cond3A_66 : i32
      scf.if %cond3A_67 {
        %mul3A_68 = arith.constant 2 : i32
        %mul3A_69 = arith.muli %mul3A_68, %scan3A_35 : i32
        %add3A_70 = arith.constant 3 : i32
        %add3A_71 = arith.addi %mul3A_69, %add3A_70 : i32
        %dma_start3A_72 = arith.constant 0 : i32
        %dma_start3A_73 = tpu.memref_slice %arg6[%add3A_71, %dma_start3A_72] : memref<100x100xi32, #tpu.memory_space<vmem>> -> memref<1x100xi32, #tpu.memory_space<vmem>>
        %dma_start3A_74 = tpu.memref_squeeze %dma_start3A_73 : memref<1x100xi32, #tpu.memory_space<vmem>> -> memref<100xi32, #tpu.memory_space<vmem>>
        %dma_start3A_75 = arith.constant 0 : i32
        %dma_start3A_76 = arith.constant 0 : i32
        %dma_start3A_77 = tpu.memref_slice %arg2[%dma_start3A_75, %dma_start3A_76] : memref<10000x128xf32, #tpu.memory_space<hbm>> -> memref<10000x128xf32, #tpu.memory_space<hbm>>
        tpu.enqueue_indirect_dma source(%dma_start3A_77 : memref<10000x128xf32, #tpu.memory_space<hbm>>) target(%arg9 : memref<100x128xf32, #tpu.memory_space<vmem>>) offsets(%dma_start3A_74 : memref<100xi32, #tpu.memory_space<vmem>>) semaphore(%arg11 : memref<!tpu.dma_semaphore, #tpu.memory_space<semaphore_mem>>)
      } else {
      }
    }
    %scan3A_25 = arith.constant 50 : i32
    %barrier3A_26 = arith.constant 0 : index
    tpu.barrier barrier_id(%barrier3A_26)
    %mul3A_27 = arith.constant 10000 : i32
    %mul3A_28 = arith.muli %arg0, %mul3A_27 : i32
    %add3A_29 = arith.addi %mul3A_28, %mul3A_0 : i32
    "tpu.region"() ({
      %run_scoped3A_35 = tpu.sem_alloc : memref<!tpu.dma_semaphore, #tpu.memory_space<semaphore_mem>>
      %dma_start3A_36 = arith.constant 0 : i32
      %dma_start3A_37 = tpu.memref_slice %arg5[%add3A_29, %dma_start3A_36] : memref<20000x128xf32, #tpu.memory_space<hbm>> -> memref<624x128xf32, #tpu.memory_space<hbm>>
      %dma_start3A_38 = arith.constant 0 : i32
      %dma_start3A_39 = tpu.memref_slice %arg14[%mul3A_0, %dma_start3A_38] : memref<10000x128xf32, #tpu.memory_space<vmem_shared>> -> memref<624x128xf32, #tpu.memory_space<vmem_shared>>
      tpu.enqueue_dma source(%dma_start3A_39 : memref<624x128xf32, #tpu.memory_space<vmem_shared>>) target(%dma_start3A_37 : memref<624x128xf32, #tpu.memory_space<hbm>>) target_semaphore(%run_scoped3A_35 : memref<!tpu.dma_semaphore, #tpu.memory_space<semaphore_mem>>)
      %dma_wait3A = arith.constant 0 : i32
      %dma_wait3A_40 = tpu.memref_slice %arg5[%add3A_29, %dma_wait3A] : memref<20000x128xf32, #tpu.memory_space<hbm>> -> memref<624x128xf32, #tpu.memory_space<hbm>>
      %dma_wait3A_41 = arith.constant 0 : i32
      %dma_wait3A_42 = tpu.memref_slice %arg14[%mul3A_0, %dma_wait3A_41] : memref<10000x128xf32, #tpu.memory_space<vmem_shared>> -> memref<624x128xf32, #tpu.memory_space<vmem_shared>>
      tpu.wait_dma2 semaphore(%run_scoped3A_35 : memref<!tpu.dma_semaphore, #tpu.memory_space<semaphore_mem>>) src(%dma_wait3A_42 : memref<624x128xf32, #tpu.memory_space<vmem_shared>>) dst(%dma_wait3A_40 : memref<624x128xf32, #tpu.memory_space<hbm>>)
      tpu.yield
    }) : () -> ()
    %eq3A_30 = arith.constant 15 : i32
    %eq3A_31 = arith.cmpi eq, %arg1, %eq3A_30 : i32
    %convert_element_type3A_32 = arith.extui %eq3A_31 : i1 to i32
    %cond3A_33 = arith.constant 0 : i32
    %cond3A_34 = arith.cmpi ne, %convert_element_type3A_32, %cond3A_33 : i32
    scf.if %cond3A_34 {
      %mul3A_35 = arith.constant 10000 : i32
      %mul3A_36 = arith.muli %arg0, %mul3A_35 : i32
      %add3A_37 = arith.constant 9984 : i32
      %add3A_38 = arith.addi %mul3A_36, %add3A_37 : i32
      "tpu.region"() ({
        %run_scoped3A_39 = tpu.sem_alloc : memref<!tpu.dma_semaphore, #tpu.memory_space<semaphore_mem>>
        %dma_start3A_40 = arith.constant 0 : i32
        %dma_start3A_41 = tpu.memref_slice %arg5[%add3A_38, %dma_start3A_40] : memref<20000x128xf32, #tpu.memory_space<hbm>> -> memref<16x128xf32, #tpu.memory_space<hbm>>
        %dma_start3A_42 = arith.constant 9984 : i32
        %dma_start3A_43 = arith.constant 0 : i32
        %dma_start3A_44 = tpu.memref_slice %arg14[%dma_start3A_42, %dma_start3A_43] : memref<10000x128xf32, #tpu.memory_space<vmem_shared>> -> memref<16x128xf32, #tpu.memory_space<vmem_shared>>
        tpu.enqueue_dma source(%dma_start3A_44 : memref<16x128xf32, #tpu.memory_space<vmem_shared>>) target(%dma_start3A_41 : memref<16x128xf32, #tpu.memory_space<hbm>>) target_semaphore(%run_scoped3A_39 : memref<!tpu.dma_semaphore, #tpu.memory_space<semaphore_mem>>)
        %dma_wait3A = arith.constant 0 : i32
        %dma_wait3A_45 = tpu.memref_slice %arg5[%add3A_38, %dma_wait3A] : memref<20000x128xf32, #tpu.memory_space<hbm>> -> memref<16x128xf32, #tpu.memory_space<hbm>>
        %dma_wait3A_46 = arith.constant 9984 : i32
        %dma_wait3A_47 = arith.constant 0 : i32
        %dma_wait3A_48 = tpu.memref_slice %arg14[%dma_wait3A_46, %dma_wait3A_47] : memref<10000x128xf32, #tpu.memory_space<vmem_shared>> -> memref<16x128xf32, #tpu.memory_space<vmem_shared>>
        tpu.wait_dma2 semaphore(%run_scoped3A_39 : memref<!tpu.dma_semaphore, #tpu.memory_space<semaphore_mem>>) src(%dma_wait3A_48 : memref<16x128xf32, #tpu.memory_space<vmem_shared>>) dst(%dma_wait3A_45 : memref<16x128xf32, #tpu.memory_space<hbm>>)
        tpu.yield
      }) : () -> ()
    } else {
    }
    return
  }
}

module attributes {stable_mosaic.version = 14 : i64} {
  func.func @_mm1_body(%arg0: i32, %arg1: memref<5000x128xf32, #tpu.memory_space<vmem>>, %arg2: memref<5000x1xf32, #tpu.memory_space<vmem>>, %arg3: memref<128x128xf32, #tpu.memory_space<vmem>>, %arg4: memref<5000x128xf32, #tpu.memory_space<vmem>>) attributes {dimension_semantics = [#tpu.dimension_semantics<arbitrary>], iteration_bounds = array<i64: 2>, scalar_prefetch = 0 : i64, scratch_operands = 0 : i64, tpu.core_type = #tpu.core_type<tc>, window_params = [{transform_indices = @transform_0, window_bounds = array<i64: 5000, 128>}, {transform_indices = @transform_1, window_bounds = array<i64: 5000, 1>}, {pipeline_mode = #tpu.pipeline_mode<synchronous>, transform_indices = @transform_2, window_bounds = array<i64: 128, 128>}, {transform_indices = @transform_3, window_bounds = array<i64: 5000, 128>}]} {
    %get3A = arith.constant 0 : index
    %get3A_0 = arith.constant 0 : index
    %get3A_1 = vector.load %arg2[%get3A, %get3A_0] : memref<5000x1xf32, #tpu.memory_space<vmem>>, vector<5000x1xf32>
    %max3A = arith.constant 1.000000e+00 : f32
    %max3A_2 = vector.broadcast %max3A : f32 to vector<5000x1xf32>
    %max3A_3 = arith.maximumf %get3A_1, %max3A_2 : vector<5000x1xf32>
    %rsqrt3A = math.rsqrt %max3A_3 : vector<5000x1xf32>
    %get3A_4 = arith.constant 0 : index
    %get3A_5 = arith.constant 0 : index
    %get3A_6 = vector.load %arg1[%get3A_4, %get3A_5] : memref<5000x128xf32, #tpu.memory_space<vmem>>, vector<5000x128xf32>
    %mul3A = vector.broadcast %rsqrt3A : vector<5000x1xf32> to vector<5000x128xf32>
    %mul3A_7 = arith.mulf %get3A_6, %mul3A : vector<5000x128xf32>
    %get3A_8 = arith.constant 0 : index
    %get3A_9 = arith.constant 0 : index
    %get3A_10 = vector.load %arg3[%get3A_8, %get3A_9] : memref<128x128xf32, #tpu.memory_space<vmem>>, vector<128x128xf32>
    %dot_general3A = arith.constant dense<0.000000e+00> : vector<5000x128xf32>
    %dot_general3A_11 = tpu.matmul %mul3A_7, %get3A_10, %dot_general3A {dimension_numbers = #tpu.dot_dimension_numbers<[1], [0], [0], [1], [0, 0, 1, 1], [], []>, transpose_lhs_hint = false} : vector<5000x128xf32>, vector<128x128xf32>, vector<5000x128xf32> -> vector<5000x128xf32>
    %swap3A = arith.constant 0 : index
    %swap3A_12 = arith.constant 0 : index
    %swap3A_13 = vector.load %arg4[%swap3A, %swap3A_12] : memref<5000x128xf32, #tpu.memory_space<vmem>>, vector<5000x128xf32>
    tpu.vector_store %arg4[%swap3A, %swap3A_12], %dot_general3A_11 {strides = array<i32>} : memref<5000x128xf32, #tpu.memory_space<vmem>>, vector<5000x128xf32>,
    return
  }
  func.func @transform_0(%arg0: i32) -> (i32, i32) {
    %c0_i32 = arith.constant 0 : i32
    %c0_i32_0 = arith.constant 0 : i32
    return %arg0, %c0_i32 : i32, i32
  }
  func.func @transform_1(%arg0: i32) -> (i32, i32) {
    %c0_i32 = arith.constant 0 : i32
    %c0_i32_0 = arith.constant 0 : i32
    return %arg0, %c0_i32 : i32, i32
  }
  func.func @transform_2(%arg0: i32) -> (i32, i32) {
    %c0_i32 = arith.constant 0 : i32
    %c0_i32_0 = arith.constant 0 : i32
    %c0_i32_1 = arith.constant 0 : i32
    return %c0_i32, %c0_i32_0 : i32, i32
  }
  func.func @transform_3(%arg0: i32) -> (i32, i32) {
    %c0_i32 = arith.constant 0 : i32
    %c0_i32_0 = arith.constant 0 : i32
    return %arg0, %c0_i32 : i32, i32
  }
}

module attributes {stable_mosaic.version = 14 : i64} {
  func.func @_mid_body(%arg0: i32, %arg1: memref<5000x128xf32, #tpu.memory_space<vmem>>, %arg2: memref<5000x128xf32, #tpu.memory_space<vmem>>, %arg3: memref<5000x1xf32, #tpu.memory_space<vmem>>, %arg4: memref<5000x1xf32, #tpu.memory_space<vmem>>, %arg5: memref<1x128xf32, #tpu.memory_space<vmem>>, %arg6: memref<128x128xf32, #tpu.memory_space<vmem>>, %arg7: memref<5000x128xf32, #tpu.memory_space<vmem>>) attributes {dimension_semantics = [#tpu.dimension_semantics<arbitrary>], iteration_bounds = array<i64: 2>, scalar_prefetch = 0 : i64, scratch_operands = 0 : i64, tpu.core_type = #tpu.core_type<tc>, window_params = [{transform_indices = @transform_0, window_bounds = array<i64: 5000, 128>}, {transform_indices = @transform_1, window_bounds = array<i64: 5000, 128>}, {transform_indices = @transform_2, window_bounds = array<i64: 5000, 1>}, {transform_indices = @transform_3, window_bounds = array<i64: 5000, 1>}, {pipeline_mode = #tpu.pipeline_mode<synchronous>, transform_indices = @transform_4, window_bounds = array<i64: 1, 128>}, {pipeline_mode = #tpu.pipeline_mode<synchronous>, transform_indices = @transform_5, window_bounds = array<i64: 128, 128>}, {transform_indices = @transform_6, window_bounds = array<i64: 5000, 128>}]} {
    %get3A = arith.constant 0 : index
    %get3A_0 = arith.constant 0 : index
    %get3A_1 = vector.load %arg1[%get3A, %get3A_0] : memref<5000x128xf32, #tpu.memory_space<vmem>>, vector<5000x128xf32>
    %get3A_2 = arith.constant 0 : index
    %get3A_3 = arith.constant 0 : index
    %get3A_4 = vector.load %arg2[%get3A_2, %get3A_3] : memref<5000x128xf32, #tpu.memory_space<vmem>>, vector<5000x128xf32>
    %add3A = arith.addf %get3A_1, %get3A_4 : vector<5000x128xf32>
    %get3A_5 = arith.constant 0 : index
    %get3A_6 = arith.constant 0 : index
    %get3A_7 = vector.load %arg3[%get3A_5, %get3A_6] : memref<5000x1xf32, #tpu.memory_space<vmem>>, vector<5000x1xf32>
    %max3A = arith.constant 1.000000e+00 : f32
    %max3A_8 = vector.broadcast %max3A : f32 to vector<5000x1xf32>
    %max3A_9 = arith.maximumf %get3A_7, %max3A_8 : vector<5000x1xf32>
    %rsqrt3A = math.rsqrt %max3A_9 : vector<5000x1xf32>
    %mul3A = vector.broadcast %rsqrt3A : vector<5000x1xf32> to vector<5000x128xf32>
    %mul3A_10 = arith.mulf %add3A, %mul3A : vector<5000x128xf32>
    %get3A_11 = arith.constant 0 : index
    %get3A_12 = arith.constant 0 : index
    %get3A_13 = vector.load %arg5[%get3A_11, %get3A_12] : memref<1x128xf32, #tpu.memory_space<vmem>>, vector<1x128xf32>
    %add3A_14 = vector.broadcast %get3A_13 : vector<1x128xf32> to vector<5000x128xf32>
    %add3A_15 = arith.addf %mul3A_10, %add3A_14 : vector<5000x128xf32>
    %max3A_16 = arith.constant 0.000000e+00 : f32
    %max3A_17 = vector.broadcast %max3A_16 : f32 to vector<5000x128xf32>
    %max3A_18 = arith.maximumf %add3A_15, %max3A_17 : vector<5000x128xf32>
    %get3A_19 = arith.constant 0 : index
    %get3A_20 = arith.constant 0 : index
    %get3A_21 = vector.load %arg4[%get3A_19, %get3A_20] : memref<5000x1xf32, #tpu.memory_space<vmem>>, vector<5000x1xf32>
    %max3A_22 = arith.constant 1.000000e+00 : f32
    %max3A_23 = vector.broadcast %max3A_22 : f32 to vector<5000x1xf32>
    %max3A_24 = arith.maximumf %get3A_21, %max3A_23 : vector<5000x1xf32>
    %rsqrt3A_25 = math.rsqrt %max3A_24 : vector<5000x1xf32>
    %mul3A_26 = vector.broadcast %rsqrt3A_25 : vector<5000x1xf32> to vector<5000x128xf32>
    %mul3A_27 = arith.mulf %max3A_18, %mul3A_26 : vector<5000x128xf32>
    %get3A_28 = arith.constant 0 : index
    %get3A_29 = arith.constant 0 : index
    %get3A_30 = vector.load %arg6[%get3A_28, %get3A_29] : memref<128x128xf32, #tpu.memory_space<vmem>>, vector<128x128xf32>
    %dot_general3A = arith.constant dense<0.000000e+00> : vector<5000x128xf32>
    %dot_general3A_31 = tpu.matmul %mul3A_27, %get3A_30, %dot_general3A {dimension_numbers = #tpu.dot_dimension_numbers<[1], [0], [0], [1], [0, 0, 1, 1], [], []>, transpose_lhs_hint = false} : vector<5000x128xf32>, vector<128x128xf32>, vector<5000x128xf32> -> vector<5000x128xf32>
    %swap3A = arith.constant 0 : index
    %swap3A_32 = arith.constant 0 : index
    %swap3A_33 = vector.load %arg7[%swap3A, %swap3A_32] : memref<5000x128xf32, #tpu.memory_space<vmem>>, vector<5000x128xf32>
    tpu.vector_store %arg7[%swap3A, %swap3A_32], %dot_general3A_31 {strides = array<i32>} : memref<5000x128xf32, #tpu.memory_space<vmem>>, vector<5000x128xf32>,
    return
  }
  func.func @transform_0(%arg0: i32) -> (i32, i32) {
    %c0_i32 = arith.constant 0 : i32
    %c0_i32_0 = arith.constant 0 : i32
    return %arg0, %c0_i32 : i32, i32
  }
  func.func @transform_1(%arg0: i32) -> (i32, i32) {
    %add3A = arith.constant 2 : i32
    %add3A_0 = arith.addi %arg0, %add3A : i32
    %c0_i32 = arith.constant 0 : i32
    %c0_i32_1 = arith.constant 0 : i32
    return %add3A_0, %c0_i32 : i32, i32
  }
  func.func @transform_2(%arg0: i32) -> (i32, i32) {
    %c0_i32 = arith.constant 0 : i32
    %c0_i32_0 = arith.constant 0 : i32
    return %arg0, %c0_i32 : i32, i32
  }
  func.func @transform_3(%arg0: i32) -> (i32, i32) {
    %c0_i32 = arith.constant 0 : i32
    %c0_i32_0 = arith.constant 0 : i32
    return %arg0, %c0_i32 : i32, i32
  }
  func.func @transform_4(%arg0: i32) -> (i32, i32) {
    %c0_i32 = arith.constant 0 : i32
    %c0_i32_0 = arith.constant 0 : i32
    %c0_i32_1 = arith.constant 0 : i32
    return %c0_i32, %c0_i32_0 : i32, i32
  }
  func.func @transform_5(%arg0: i32) -> (i32, i32) {
    %c0_i32 = arith.constant 0 : i32
    %c0_i32_0 = arith.constant 0 : i32
    %c0_i32_1 = arith.constant 0 : i32
    return %c0_i32, %c0_i32_0 : i32, i32
  }
  func.func @transform_6(%arg0: i32) -> (i32, i32) {
    %c0_i32 = arith.constant 0 : i32
    %c0_i32_0 = arith.constant 0 : i32
    return %arg0, %c0_i32 : i32, i32
  }
}

module attributes {stable_mosaic.version = 14 : i64} {
  func.func @_fin_body(%arg0: i32, %arg1: memref<5000x128xf32, #tpu.memory_space<vmem>>, %arg2: memref<5000x128xf32, #tpu.memory_space<vmem>>, %arg3: memref<5000x1xf32, #tpu.memory_space<vmem>>, %arg4: memref<1x128xf32, #tpu.memory_space<vmem>>, %arg5: memref<128x2xf32, #tpu.memory_space<vmem>>, %arg6: memref<1x2xf32, #tpu.memory_space<vmem>>, %arg7: memref<5000x1xi32, #tpu.memory_space<vmem>>, %arg8: memref<64x2xf32, #tpu.memory_space<vmem>>, %arg9: memref<64x2xf32, #tpu.memory_space<vmem>>, %arg10: memref<64x1xf32, #tpu.memory_space<vmem>>) attributes {dimension_semantics = [#tpu.dimension_semantics<arbitrary>], iteration_bounds = array<i64: 2>, scalar_prefetch = 0 : i64, scratch_operands = 2 : i64, tpu.core_type = #tpu.core_type<tc>, window_params = [{transform_indices = @transform_0, window_bounds = array<i64: 5000, 128>}, {transform_indices = @transform_1, window_bounds = array<i64: 5000, 128>}, {transform_indices = @transform_2, window_bounds = array<i64: 5000, 1>}, {pipeline_mode = #tpu.pipeline_mode<synchronous>, transform_indices = @transform_3, window_bounds = array<i64: 1, 128>}, {pipeline_mode = #tpu.pipeline_mode<synchronous>, transform_indices = @transform_4, window_bounds = array<i64: 128, 2>}, {pipeline_mode = #tpu.pipeline_mode<synchronous>, transform_indices = @transform_5, window_bounds = array<i64: 1, 2>}, {transform_indices = @transform_6, window_bounds = array<i64: 5000, 1>}, {pipeline_mode = #tpu.pipeline_mode<synchronous>, transform_indices = @transform_7, window_bounds = array<i64: 64, 2>}]} {
    %get3A = arith.constant 0 : index
    %get3A_0 = arith.constant 0 : index
    %get3A_1 = vector.load %arg1[%get3A, %get3A_0] : memref<5000x128xf32, #tpu.memory_space<vmem>>, vector<5000x128xf32>
    %get3A_2 = arith.constant 0 : index
    %get3A_3 = arith.constant 0 : index
    %get3A_4 = vector.load %arg2[%get3A_2, %get3A_3] : memref<5000x128xf32, #tpu.memory_space<vmem>>, vector<5000x128xf32>
    %add3A = arith.addf %get3A_1, %get3A_4 : vector<5000x128xf32>
    %get3A_5 = arith.constant 0 : index
    %get3A_6 = arith.constant 0 : index
    %get3A_7 = vector.load %arg3[%get3A_5, %get3A_6] : memref<5000x1xf32, #tpu.memory_space<vmem>>, vector<5000x1xf32>
    %max3A = arith.constant 1.000000e+00 : f32
    %max3A_8 = vector.broadcast %max3A : f32 to vector<5000x1xf32>
    %max3A_9 = arith.maximumf %get3A_7, %max3A_8 : vector<5000x1xf32>
    %rsqrt3A = math.rsqrt %max3A_9 : vector<5000x1xf32>
    %mul3A = vector.broadcast %rsqrt3A : vector<5000x1xf32> to vector<5000x128xf32>
    %mul3A_10 = arith.mulf %add3A, %mul3A : vector<5000x128xf32>
    %get3A_11 = arith.constant 0 : index
    %get3A_12 = arith.constant 0 : index
    %get3A_13 = vector.load %arg4[%get3A_11, %get3A_12] : memref<1x128xf32, #tpu.memory_space<vmem>>, vector<1x128xf32>
    %add3A_14 = vector.broadcast %get3A_13 : vector<1x128xf32> to vector<5000x128xf32>
    %add3A_15 = arith.addf %mul3A_10, %add3A_14 : vector<5000x128xf32>
    %max3A_16 = arith.constant 0.000000e+00 : f32
    %max3A_17 = vector.broadcast %max3A_16 : f32 to vector<5000x128xf32>
    %max3A_18 = arith.maximumf %add3A_15, %max3A_17 : vector<5000x128xf32>
    %get3A_19 = arith.constant 0 : index
    %get3A_20 = arith.constant 0 : index
    %get3A_21 = vector.load %arg5[%get3A_19, %get3A_20] : memref<128x2xf32, #tpu.memory_space<vmem>>, vector<128x2xf32>
    %dot_general3A = arith.constant dense<0.000000e+00> : vector<5000x2xf32>
    %dot_general3A_22 = tpu.matmul %max3A_18, %get3A_21, %dot_general3A {dimension_numbers = #tpu.dot_dimension_numbers<[1], [0], [0], [1], [0, 0, 1, 1], [], []>, transpose_lhs_hint = false} : vector<5000x128xf32>, vector<128x2xf32>, vector<5000x2xf32> -> vector<5000x2xf32>
    %get3A_23 = arith.constant 0 : index
    %get3A_24 = arith.constant 0 : index
    %get3A_25 = vector.load %arg6[%get3A_23, %get3A_24] : memref<1x2xf32, #tpu.memory_space<vmem>>, vector<1x2xf32>
    %add3A_26 = vector.broadcast %get3A_25 : vector<1x2xf32> to vector<5000x2xf32>
    %add3A_27 = arith.addf %dot_general3A_22, %add3A_26 : vector<5000x2xf32>
    %reduce_max3A = arith.constant dense<0xFF800000> : vector<5000xf32>
    %reduce_max3A_28 = vector.multi_reduction <maximumf>, %add3A_27, %reduce_max3A [1] : vector<5000x2xf32> to vector<5000xf32>
    %broadcast_in_dim3A = vector.shape_cast %reduce_max3A_28 : vector<5000xf32> to vector<5000x1xf32>
    %sub3A = vector.broadcast %broadcast_in_dim3A : vector<5000x1xf32> to vector<5000x2xf32>
    %sub3A_29 = arith.subf %add3A_27, %sub3A : vector<5000x2xf32>
    %exp3A = math.exp %sub3A_29 : vector<5000x2xf32>
    %reduce_sum3A = arith.constant dense<0.000000e+00> : vector<5000xf32>
    %reduce_sum3A_30 = vector.multi_reduction <add>, %exp3A, %reduce_sum3A [1] : vector<5000x2xf32> to vector<5000xf32>
    %broadcast_in_dim3A_31 = vector.shape_cast %reduce_sum3A_30 : vector<5000xf32> to vector<5000x1xf32>
    %div3A = vector.broadcast %broadcast_in_dim3A_31 : vector<5000x1xf32> to vector<5000x2xf32>
    %div3A_32 = arith.divf %exp3A, %div3A : vector<5000x2xf32>
    %get3A_33 = arith.constant 0 : index
    %get3A_34 = arith.constant 0 : index
    %get3A_35 = vector.load %arg7[%get3A_33, %get3A_34] : memref<5000x1xi32, #tpu.memory_space<vmem>>, vector<5000x1xi32>
    %iota3A = tpu.iota {dimensions = array<i32: 1>} : vector<5000x64xi32>
    %eq3A = vector.broadcast %get3A_35 : vector<5000x1xi32> to vector<5000x64xi32>
    %eq3A_36 = arith.cmpi eq, %eq3A, %iota3A : vector<5000x64xi32>
    %convert_element_type3A = arith.extui %eq3A_36 : vector<5000x64xi1> to vector<5000x64xi32>
    %convert_element_type3A_37 = arith.sitofp %convert_element_type3A : vector<5000x64xi32> to vector<5000x64xf32>
    %dot_general3A_38 = arith.constant dense<0.000000e+00> : vector<64x2xf32>
    %dot_general3A_39 = tpu.matmul %convert_element_type3A_37, %div3A_32, %dot_general3A_38 {dimension_numbers = #tpu.dot_dimension_numbers<[0], [0], [1], [1], [0, 1, 1, 1], [], []>, transpose_lhs_hint = false} : vector<5000x64xf32>, vector<5000x2xf32>, vector<64x2xf32> -> vector<64x2xf32>
    %broadcast_in_dim3A_40 = arith.constant 1.000000e+00 : f32
    %broadcast_in_dim3A_41 = vector.broadcast %broadcast_in_dim3A_40 : f32 to vector<5000x1xf32>
    %dot_general3A_42 = arith.constant dense<0.000000e+00> : vector<64x1xf32>
    %dot_general3A_43 = tpu.matmul %convert_element_type3A_37, %broadcast_in_dim3A_41, %dot_general3A_42 {dimension_numbers = #tpu.dot_dimension_numbers<[0], [0], [1], [1], [0, 1, 1, 1], [], []>, transpose_lhs_hint = false} : vector<5000x64xf32>, vector<5000x1xf32>, vector<64x1xf32> -> vector<64x1xf32>
    %eq3A_44 = arith.constant 0 : i32
    %eq3A_45 = arith.cmpi eq, %arg0, %eq3A_44 : i32
    %convert_element_type3A_46 = arith.extui %eq3A_45 : i1 to i32
    %cond3A = arith.constant 0 : i32
    %cond3A_47 = arith.cmpi ne, %convert_element_type3A_46, %cond3A : i32
    scf.if %cond3A_47 {
      %broadcast_in_dim3A_66 = arith.constant 0.000000e+00 : f32
      %broadcast_in_dim3A_67 = vector.broadcast %broadcast_in_dim3A_66 : f32 to vector<64x2xf32>
      %swap3A_68 = arith.constant 0 : index
      %swap3A_69 = arith.constant 0 : index
      %swap3A_70 = vector.load %arg9[%swap3A_68, %swap3A_69] : memref<64x2xf32, #tpu.memory_space<vmem>>, vector<64x2xf32>
      tpu.vector_store %arg9[%swap3A_68, %swap3A_69], %broadcast_in_dim3A_67 {strides = array<i32>} : memref<64x2xf32, #tpu.memory_space<vmem>>, vector<64x2xf32>,
      %broadcast_in_dim3A_71 = arith.constant 0.000000e+00 : f32
      %broadcast_in_dim3A_72 = vector.broadcast %broadcast_in_dim3A_71 : f32 to vector<64x1xf32>
      %swap3A_73 = arith.constant 0 : index
      %swap3A_74 = arith.constant 0 : index
      %swap3A_75 = vector.load %arg10[%swap3A_73, %swap3A_74] : memref<64x1xf32, #tpu.memory_space<vmem>>, vector<64x1xf32>
      tpu.vector_store %arg10[%swap3A_73, %swap3A_74], %broadcast_in_dim3A_72 {strides = array<i32>} : memref<64x1xf32, #tpu.memory_space<vmem>>, vector<64x1xf32>,
    } else {
    }
    %get3A_48 = arith.constant 0 : index
    %get3A_49 = arith.constant 0 : index
    %get3A_50 = vector.load %arg9[%get3A_48, %get3A_49] : memref<64x2xf32, #tpu.memory_space<vmem>>, vector<64x2xf32>
    %add3A_51 = arith.addf %get3A_50, %dot_general3A_39 : vector<64x2xf32>
    %swap3A = arith.constant 0 : index
    %swap3A_52 = arith.constant 0 : index
    %swap3A_53 = vector.load %arg9[%swap3A, %swap3A_52] : memref<64x2xf32, #tpu.memory_space<vmem>>, vector<64x2xf32>
    tpu.vector_store %arg9[%swap3A, %swap3A_52], %add3A_51 {strides = array<i32>} : memref<64x2xf32, #tpu.memory_space<vmem>>, vector<64x2xf32>,
    %get3A_54 = arith.constant 0 : index
    %get3A_55 = arith.constant 0 : index
    %get3A_56 = vector.load %arg10[%get3A_54, %get3A_55] : memref<64x1xf32, #tpu.memory_space<vmem>>, vector<64x1xf32>
    %add3A_57 = arith.addf %get3A_56, %dot_general3A_43 : vector<64x1xf32>
    %swap3A_58 = arith.constant 0 : index
    %swap3A_59 = arith.constant 0 : index
    %swap3A_60 = vector.load %arg10[%swap3A_58, %swap3A_59] : memref<64x1xf32, #tpu.memory_space<vmem>>, vector<64x1xf32>
    tpu.vector_store %arg10[%swap3A_58, %swap3A_59], %add3A_57 {strides = array<i32>} : memref<64x1xf32, #tpu.memory_space<vmem>>, vector<64x1xf32>,
    %eq3A_61 = arith.constant 1 : i32
    %eq3A_62 = arith.cmpi eq, %arg0, %eq3A_61 : i32
    %convert_element_type3A_63 = arith.extui %eq3A_62 : i1 to i32
    %cond3A_64 = arith.constant 0 : i32
    %cond3A_65 = arith.cmpi ne, %convert_element_type3A_63, %cond3A_64 : i32
    scf.if %cond3A_65 {
      %get3A_66 = arith.constant 0 : index
      %get3A_67 = arith.constant 0 : index
      %get3A_68 = vector.load %arg9[%get3A_66, %get3A_67] : memref<64x2xf32, #tpu.memory_space<vmem>>, vector<64x2xf32>
      %get3A_69 = arith.constant 0 : index
      %get3A_70 = arith.constant 0 : index
      %get3A_71 = vector.load %arg10[%get3A_69, %get3A_70] : memref<64x1xf32, #tpu.memory_space<vmem>>, vector<64x1xf32>
      %max3A_72 = arith.constant 1.000000e+00 : f32
      %max3A_73 = vector.broadcast %max3A_72 : f32 to vector<64x1xf32>
      %max3A_74 = arith.maximumf %get3A_71, %max3A_73 : vector<64x1xf32>
      %div3A_75 = vector.broadcast %max3A_74 : vector<64x1xf32> to vector<64x2xf32>
      %div3A_76 = arith.divf %get3A_68, %div3A_75 : vector<64x2xf32>
      %swap3A_77 = arith.constant 0 : index
      %swap3A_78 = arith.constant 0 : index
      %swap3A_79 = vector.load %arg8[%swap3A_77, %swap3A_78] : memref<64x2xf32, #tpu.memory_space<vmem>>, vector<64x2xf32>
      tpu.vector_store %arg8[%swap3A_77, %swap3A_78], %div3A_76 {strides = array<i32>} : memref<64x2xf32, #tpu.memory_space<vmem>>, vector<64x2xf32>,
    } else {
    }
    return
  }
  func.func @transform_0(%arg0: i32) -> (i32, i32) {
    %c0_i32 = arith.constant 0 : i32
    %c0_i32_0 = arith.constant 0 : i32
    return %arg0, %c0_i32 : i32, i32
  }
  func.func @transform_1(%arg0: i32) -> (i32, i32) {
    %add3A = arith.constant 2 : i32
    %add3A_0 = arith.addi %arg0, %add3A : i32
    %c0_i32 = arith.constant 0 : i32
    %c0_i32_1 = arith.constant 0 : i32
    return %add3A_0, %c0_i32 : i32, i32
  }
  func.func @transform_2(%arg0: i32) -> (i32, i32) {
    %c0_i32 = arith.constant 0 : i32
    %c0_i32_0 = arith.constant 0 : i32
    return %arg0, %c0_i32 : i32, i32
  }
  func.func @transform_3(%arg0: i32) -> (i32, i32) {
    %c0_i32 = arith.constant 0 : i32
    %c0_i32_0 = arith.constant 0 : i32
    %c0_i32_1 = arith.constant 0 : i32
    return %c0_i32, %c0_i32_0 : i32, i32
  }
  func.func @transform_4(%arg0: i32) -> (i32, i32) {
    %c0_i32 = arith.constant 0 : i32
    %c0_i32_0 = arith.constant 0 : i32
    %c0_i32_1 = arith.constant 0 : i32
    return %c0_i32, %c0_i32_0 : i32, i32
  }
  func.func @transform_5(%arg0: i32) -> (i32, i32) {
    %c0_i32 = arith.constant 0 : i32
    %c0_i32_0 = arith.constant 0 : i32
    %c0_i32_1 = arith.constant 0 : i32
    return %c0_i32, %c0_i32_0 : i32, i32
  }
  func.func @transform_6(%arg0: i32) -> (i32, i32) {
    %c0_i32 = arith.constant 0 : i32
    %c0_i32_0 = arith.constant 0 : i32
    return %arg0, %c0_i32 : i32, i32
  }
  func.func @transform_7(%arg0: i32) -> (i32, i32) {
    %c0_i32 = arith.constant 0 : i32
    %c0_i32_0 = arith.constant 0 : i32
    %c0_i32_1 = arith.constant 0 : i32
    return %c0_i32, %c0_i32_0 : i32, i32
  }
}

</mosaic_0001>

<sc_bundles>
// kernel: kernel.11.cloned.1.call-start
scs
__scs_entry_jumppad:
0x0: {  	(pc) =	sbr.rel $0x88, $3  }
0x1: {  	(tag) =	ssettag $0x0;
	lr =	simm.s32 $0x1  }
0x2: {  	[smem:$0x3F98] =	sst lr;
	_ =	strace $0xD0000000  }
0x3: {  	_ = 	snop  }
0x4: {  	_ = 	snop  }
0x5: {  	_ = 	snop  }
0x6: {  	_ = 	snop  }
0x7: {  	_ = 	snop  }
__scs_overlays_trampoline_lowered:
0x8: {  	[smem:$0x3FA7] =	sst s0  }
0x9: {  	[smem:$0x3FA8] =	sst s1  }
0xa: {  	[smem:$0x3FA9] =	sst s2  }
0xb: {  	[smem:$0x3FAA] =	sst s3  }
0xc: {  	[smem:$0x3FAB] =	sst s4  }
0xd: {  	[smem:$0x3FAC] =	sst s5  }
0xe: {  	[smem:$0x3FAD] =	sst s6  }
0xf: {  	[smem:$0x3FAE] =	sst s7  }
0x10: {  	[smem:$0x3FAF] =	sst s8  }
0x11: {  	[smem:$0x3FB0] =	sst s9;
	s0 =	simm.s32 @!p0 $0x0  }
0x12: {  	s1 =	sld [smem:$0x3F96];
	s0 =	simm.s32 @p0 $0x1  }
0x13: {  	[smem:$0x3FB1] =	sst s0;
	s0 =	simm.s32 @!p1 $0x0  }
0x14: {  	s2 =	sld [smem:$0x3F95];
	s0 =	simm.s32 @p1 $0x1  }
0x15: {  	[smem:$0x3FB2] =	sst s0;
	s0 =	simm.s32 @!p2 $0x0  }
0x16: {  	s3 =	sld [smem:$0x3FDB];
	s0 =	simm.s32 @p2 $0x1  }
0x17: {  	s4 =	simm.s32 $0x1BF5;
	[smem:$0x3FB4] =	sst s0  }
0x18: {  	s0 =	sld [smem:$0x3F97];
	_ =	swait.ge [sflag:s4], $0x0  }
0x19: {  	s7 =	sld [smem:$0x3F98]  }
0x1a: {  	s8 =	sadd.s32 $0xFFFFE003, lr  }
0x1b: {  	s9 =	sadd.s32 $0xFFFFFEF7, lr;
	s5 =	simm.s32 $0xFFFFFFFF;
	p2 =	slt.u32 s8, $0xFFFFF086  }
0x1c: {  	p1 =	slt.u32 s9, $0xF7A;
	s5 =	simm.s32 @!p2 $0x0  }
0x1d: {  	s5 =	simm.s32 @p1 $0x1;
	p0 =	seq.s32 s7, s2  }
0x1e: {  	s7 =	smul.u32 @!p0 $0xF7A, s2;
	p2 =	seq.s32 @!p0 s5, $0x0  }
0x1f: {  	s9 =	smul.u32 $0xF7A, s1;
	s8 =	simm.s32 @!p0 $0x1BF5;
	p2 =	por !p2, p0  }
0x20: {  	[sflag:s8] =	ssyncset.s32 @!p0 $0xFFFFF086;
	s6 =	sadd.s32 @!p0 s3, s7;
	s7 =	simm.s32 @!p0 $0x108  }
0x21: {  	s3 =	sadd.s32 s3, s9;
	s6 =	sadd.s32 @!p0 $0x88, s6;
	s7 =	simm.s32 @p2 $0x1082  }
0x22: {  	[simem:s7], [sflag:s8] =	dma.local @!p0 [hbm:s6], $0xF7A  }
0x23: {  	s9 =	sor.u32 $0xD0000000, s2;
	s6 =	simm.s32 $0x108;
	_ =	swait.ge @!p0 [sflag:s8], $0x0  }
0x24: {  	s3 =	sadd.s32 $0x88, s3;
	s6 =	simm.s32 @!p1 $0x1082;
	[sflag:s4] =	ssyncset.s32 $0xFFFFF086  }
0x25: {  	[simem:s6], [sflag:s4] =	dma.local [hbm:s3], $0xF7A  }
0x26: {  	[smem:$0x3F98] =	sst s1;
	(tag) =	ssettag s2;
	_ =	strace s9  }
0x27: {  	s1 =	sld [smem:$0x3FA8]  }
0x28: {  	s2 =	sld [smem:$0x3FA9]  }
0x29: {  	s4 =	sld [smem:$0x3FAB]  }
0x2a: {  	p0 =	seq.s32 s5, $0x0;
	s5 =	sld [smem:$0x3FAC]  }
0x2b: {  	s6 =	sld [smem:$0x3FAD]  }
0x2c: {  	s7 =	sld [smem:$0x3FAE]  }
0x2d: {  	s3 =	simm.s32 $0x108;
	s8 =	sld [smem:$0x3FAF]  }
0x2e: {  	s3 =	simm.s32 @!p0 $0x1082;
	s9 =	sld [smem:$0x3FB0]  }
0x2f: {  	lr =	sadd.s32 s0, s3;
	s0 =	sld [smem:$0x3FA7]  }
0x30: {  	s3 =	sld [smem:$0x3FAA]  }
0x31: {  	[smem:$0x3FB3] =	sst s10  }
0x32: {  	s10 =	sld [smem:$0x3FB1];
	_ =	sdelay $0x3  }
0x33: {  	p0 =	seq.s32 s10, $0x1;
	s10 =	sld [smem:$0x3FB3];
	_ =	sdelay $0x3  }
0x34: {  	[smem:$0x3FB3] =	sst s10  }
0x35: {  	s10 =	sld [smem:$0x3FB2];
	_ =	sdelay $0x3  }
0x36: {  	p1 =	seq.s32 s10, $0x1;
	s10 =	sld [smem:$0x3FB3];
	_ =	sdelay $0x3  }
0x37: {  	[smem:$0x3FB3] =	sst s10  }
0x38: {  	s10 =	sld [smem:$0x3FB4]  }
0x39: {  	_ = 	snop;
	(pc) =	sbr.ind lr, $3  }
0x3a: {  	_ = 	snop  }
0x3b: {  	_ = 	snop  }
0x3c: {  	p2 =	seq.s32 s10, $0x1;
	s10 =	sld [smem:$0x3FB3]  }
0x3d: {  	_ =	shalt  }
0x3e: {  	_ =	shalt  }
0x3f: {  	_ =	shalt  }
0x40: {  	_ =	shalt  }
0x41: {  	_ =	shalt  }
0x42: {  	_ =	shalt  }
0x43: {  	_ =	shalt  }
0x44: {  	_ =	shalt  }
0x45: {  	_ =	shalt  }
0x46: {  	_ =	shalt  }
0x47: {  	_ =	shalt  }
0x48: {  	_ =	shalt  }
0x49: {  	_ =	shalt  }
0x4a: {  	_ =	shalt  }
0x4b: {  	_ =	shalt  }
0x4c: {  	_ =	shalt  }
0x4d: {  	_ =	shalt  }
0x4e: {  	_ =	shalt  }
0x4f: {  	_ =	shalt  }
0x50: {  	_ =	shalt  }
0x51: {  	_ =	shalt  }
0x52: {  	_ =	shalt  }
0x53: {  	_ =	shalt  }
0x54: {  	_ =	shalt  }
0x55: {  	_ =	shalt  }
0x56: {  	_ =	shalt  }
0x57: {  	_ =	shalt  }
0x58: {  	_ =	shalt  }
0x59: {  	_ =	shalt  }
0x5a: {  	_ =	shalt  }
0x5b: {  	_ =	shalt  }
0x5c: {  	_ =	shalt  }
0x5d: {  	_ =	shalt  }
0x5e: {  	_ =	shalt  }
0x5f: {  	_ =	shalt  }
0x60: {  	_ =	shalt  }
0x61: {  	_ =	shalt  }
0x62: {  	_ =	shalt  }
0x63: {  	_ =	shalt  }
0x64: {  	_ =	shalt  }
0x65: {  	_ =	shalt  }
0x66: {  	_ =	shalt  }
0x67: {  	_ =	shalt  }
0x68: {  	_ =	shalt  }
0x69: {  	_ =	shalt  }
0x6a: {  	_ =	shalt  }
0x6b: {  	_ =	shalt  }
0x6c: {  	_ =	shalt  }
0x6d: {  	_ =	shalt  }
0x6e: {  	_ =	shalt  }
0x6f: {  	_ =	shalt  }
0x70: {  	_ =	shalt  }
0x71: {  	_ =	shalt  }
0x72: {  	_ =	shalt  }
0x73: {  	_ =	shalt  }
0x74: {  	_ =	shalt  }
0x75: {  	_ =	shalt  }
0x76: {  	_ =	shalt  }
0x77: {  	_ =	shalt  }
0x78: {  	_ =	shalt  }
0x79: {  	_ =	shalt  }
0x7a: {  	_ =	shalt  }
0x7b: {  	_ =	shalt  }
0x7c: {  	_ =	shalt  }
0x7d: {  	_ =	shalt  }
0x7e: {  	_ =	shalt  }
0x7f: {  	_ =	shalt  }
0x80: {  	_ =	shalt  }
0x81: {  	_ =	shalt  }
0x82: {  	_ =	shalt  }
0x83: {  	_ =	shalt  }
0x84: {  	_ =	shalt  }
0x85: {  	_ =	shalt  }
0x86: {  	_ =	shalt  }
0x87: {  	_ =	shalt  }
.Lfunc_end0:
.L_simem_size_0:
called_computation.1_lowered:
.L_overlay_start_0:
0x88: {  	s2 =	sld [smem:$0x3FD9]  }
0x89: {  	s3 =	sld [smem:$0x3FFE];
	_ =	sdelay $0x1  }
0x8a: {  	s1 =	srdreg.scid  }
0x8b: {  	s0 =	sand.u32 $0x1, s1  }
0x8c: {  	s16 =	sshll.u32 s0, $0xA;
	s2 =	sadd.s32 s3, s2  }
0x8d: {  	s2 =	sadd.s32 s2, s16  }
0x8e: {  	[smem:$0x3FBF] =	sst s2  }
0x8f: {  	_ = 	snop  }
0x90: {  	(tm) =	ssettm $0x1  }
0x91: {  	s17 =	sld [smem:$0x3FFB];
	_ =	sdelay $0x3  }
0x92: {  	_ =	strace s17  }
0x93: {  	s2 =	sld [smem:$0x3FFC];
	_ =	sdelay $0x3  }
0x94: {  	_ =	strace s2  }
0x95: {  	s2 =	sld [smem:$0x3FFD];
	_ =	sdelay $0x3  }
0x96: {  	_ =	strace s2  }
0x97: {  	_ =	strace $0x8FFFFFFF  }
0x98: {  	s18 =	sld [smem:$0x3FDB];
	_ =	sdelay $0x1  }
0x99: {  	s19 =	simm.s32 $_scs_section_size  }
0x9a: {  	s4 =	simm.s32 $_size__tile_overlayer_lowered;
	s5 =	simm.s32 $_tile_overlayer_lowered  }
0x9b: {  	s22 =	simm.s32 $0x1BFF;
	s21 =	sshll.u32 s5, $0x1;
	s2 =	sadd.s32 s19, s18  }
0x9c: {  	s6 =	simm.s32 $0x0;
	s20 =	sshll.u32 s4, $0x1;
	s4 =	sadd.s32 s21, s2  }
0x9d: {  	[timem:s6], [sflag:s22] =	dma.local [hbm:s4], s20  }
0x9e: {  	_ =	swait.ge [sflag:s22], s20  }
0x9f: {  	s3 =	ssub.s32 $0x0, s20;
	[sflag:s22] =	ssyncset.done $0x0  }
0xa0: {  	[sflag:s22] =	ssyncadd.s32 s3;
	_ =	sdelay $0x1  }
0xa1: {  	s23 =	simm.s32 $0x1B8B  }
0xa2: {  	_ =	swait.ge [sflag:s23], $0x1  }
0xa3: {  	[sflag:s23] =	ssyncset.done $0x0  }
0xa4: {  	s25 =	simm.s32 $0x1B8E;
	s24 =	sld [smem:$0x3FFE];
	[sflag:s23] =	ssyncadd.s32 $0xFFFFFFFF  }
0xa5: {  	s26 =	simm.s32 $execute0_lowered;
	[smem:$0x3FD2] =	sst s25  }
0xa6: {  	s4 =	sshll.u32 s26, $0x1;
	_ =	strace $0x80000049;
	[dreg:$0x1] =	wrdreg $0xFFFFFFFF  }
0xa7: {  	s28 =	simm.s32 $_size_execute0_lowered;
	s2 =	sadd.s32 s2, s4;
	[dreg:$0x0] =	wrdreg $0x0  }
0xa8: {  	s4 =	sshll.u32 s28, $0x1;
	[dreg:$0x2] =	wrdreg s2  }
0xa9: {  	[dreg:$0x3] =	wrdreg s4  }
0xaa: {  	[dreg:$0x4] =	wrdreg $0xC0  }
0xab: {  	_ =	task [dreg:s6], $0x5FFFF  }
0xac: {  	[dreg:$0x1] =	wrdreg $0xFFFFFFFF  }
0xad: {  	[dreg:$0x0] =	wrdreg $0x60  }
0xae: {  	[dreg:$0x2] =	wrdreg s24  }
0xaf: {  	[dreg:$0x3] =	wrdreg $0xB5400  }
0xb0: {  	[dreg:$0x4] =	wrdreg $0x9  }
0xb1: {  	_ =	task.clear_ibuf [dreg:s6], $0x5FFFF;
	_ =	strace $0x90000049  }
0xb2: {  	s29 =	simm.s32 $0x9;
	_ =	strace $0x8000004B  }
0xb3: {  	_ =	swait.ge [sflag:s29], $0x1  }
0xb4: {  	[sflag:s29] =	ssyncadd.s32 $0xFFFFFFFF  }
0xb5: {  	_ =	strace $0x9000004B  }
0xb6: {  	_ =	sfence  }
0xb7: {  	s30 =	sld [smem:$0x0];
	_ =	sdelay $0x2  }
0xb8: {  	s31 =	sshll.u32 s1, $0xD;
	s1 =	sshrl.u32 s1, $0x2  }
0xb9: {  	s3 =	sand.u32 $0x4000, s31;
	s1 =	sadd.s32 s1, s30  }
0xba: {  	s0 =	sor.u32 s3, s0;
	s1 =	sshll.u32 s1, $0x11  }
0xbb: {  	s0 =	sor.u32 s1, s0  }
0xbc: {  	s0 =	sadd.s32 $0x8F2B, s0  }
0xbd: {  	[sflag:s0] =	ssyncadd.remote.s32 $0x1  }
0xbe: {  	_ =	sfence.sel $0xFFFF  }
0xbf: {  	[dreg:$0x0] =	wrdreg $0xFFFFFFFF;
	(pc) =	sbr.abs _section_cstart, $3  }
0xc0: {  	[dreg:$0x1] =	wrdreg $0xFFFFFFFF  }
0xc1: {  	_ =	task.clear_ibuf [dreg:s6], $0x2FFFF;
	_ =	strace $0x9FFFFFFF  }
0xc2: {  	(tm) =	ssettm $0x7FFFFFFF  }
0xc3: {  	_ =	shalt  }
tec
execute0_lowered:
.L_overlay_start_1:
0x0: {  	(tag) =	ssettag $0x1  }
0x1: {  	s0 =	srdreg.scid;
	s8 =	rddreg [dreg:$0x0]  }
0x2: {  	s2 =	rddreg [dreg:$0x1];
	s3 =	simm.s32 $0x0;
	s18 =	simm.s32 $0x5140  }
0x3: {  	s19 =	simm.s32 $0x68;
	s20 =	simm.s32 $0x8340;
	s21 =	simm.s32 $0x1  }
0x4: {  	s22 =	simm.s32 $0x2;
	s23 =	simm.s32 $0x5070;
	s24 =	simm.s32 $0x50D8  }
0x5: {  	s25 =	simm.s32 $0x0;
	s7 =	sand.u32 $0x1, s0;
	s0 =	stileid.u32  }
0x6: {  	[smem:$0x7FF] =	sst s3;
	s12 =	sadd.s32 $0x7A600, s8;
	s6 =	smul.u32 $0x13800, s0  }
0x7: {  	s16 =	sadd.s32 $0x138000, s2;
	s1 =	sshll.u32 s7, $0x4;
	s29 =	smul.u32 $0x2700, s0  }
0x8: {  	s10 =	ssub.s32 $0x2, s7;
	s30 =	sshll.u32 s0, $0x6;
	s31 =	smul.u32 $0x138800, s7  }
0x9: {  	s15 =	smul.u32 $0x27100, s7;
	s7 =	sadd.s32 $0x7A400, s8;
	p0 =	sne.s32 s0, $0xF  }
0xa: {  	s4 =	sor.u32 s0, s1;
	s1 =	rddreg [dreg:$0x2];
	_ =	strace $0x8000004A  }
0xb: {  	s28 =	sshrl.u32 s10, $0x1;
	s5 =	smul.u32 $0x28A0, s4;
	s4 =	sadd.s32 $0x2C200, s8  }
0xc: {  	s9 =	sshrl.u32 s6, $0x3;
	s13 =	ssub.s32 s10, s28;
	s14 =	sadd.s32 s6, s2  }
0xd: {  	s6 =	sor.u32 $0x1C03, s30;
	s10 =	sshrl.u32 s31, $0x3;
	s15 =	sadd.s32 s29, s15  }
0xe: {  	s26 =	sadd.s32 s9, s8;
	s17 =	sadd.s32 s12, s10;
	s10 =	sadd.s32 s12, s15  }
0xf: {  	s12 =	smax.u32 s13, $0x1;
	s13 =	sshrl.u32 s14, $0x3;
	s5 =	sshrl.u32 s5, $0x3  }
0x10: {  	s14 =	simm.s32 $0x3;
	s15 =	sshrl.u32 @!p0 s16, $0x3;
	s11 =	sadd.s32 s5, s8  }
0x11: {  	s16 =	simm.s32 $0x28A0;
	s5 =	sadd.s32 $0x53400, s26;
	s8 =	sadd.s32 $0x17C00, s11  }
0x12: {  	s9 =	sadd.s32 $0x21E80, s11;
	s11 =	sadd.s32 $0x27000, s17;
	s17 =	simm.s32 $0x64  }
.LBB2_1:
0x13: {  	[spmem:s13], [sflag:s6] =	dma.local [hbm:s5], $0x2700  }
0x14: {  	_ =	swait.ge [sflag:s14], $0x2700  }
0x15: {  	[sflag:s14] =	ssyncset.done $0x0  }
0x16: {  	s26 =	simm.s32 @!p0 $0x3;
	[sflag:s14] =	ssyncadd.s32 $0xFFFFD900  }
0x17: {  	[spmem:s15], [sflag:s6] =	dma.local @!p0 [hbm:s7], $0x100  }
0x18: {  	_ =	swait.ge @!p0 [sflag:s26], $0x100  }
0x19: {  	[sflag:s26] =	ssyncset.done @!p0 $0x0  }
0x1a: {  	[sflag:s26] =	ssyncadd.s32 @!p0 $0xFFFFFF00  }
0x1b: {  	[tilespmem:s3], [sflag:$0x3] =	stream.linear.gather [hbm4b:s8+s3], $0x28A0, $0x38;
	[tilespmem:$0x1EDC0] =	vst v63  }
0x1c: {  	_ =	swait.ge [sflag:s14], $0x28A0  }
0x1d: {  	[sflag:s14] =	ssyncset.done $0x0  }
0x1e: {  	[sflag:s14] =	ssyncadd.s32 $0xFFFFD760  }
0x1f: {  	[tilespmem:s16], [sflag:$0x3] =	stream.linear.gather [hbm4b:s9+s3], $0x28A0, $0x38;
	[tilespmem:$0x1EDC0] =	vst v63  }
0x20: {  	_ =	swait.ge [sflag:s14], $0x28A0  }
0x21: {  	[sflag:s14] =	ssyncset.done $0x0  }
0x22: {  	[sflag:s14] =	ssyncadd.s32 $0xFFFFD760  }
0x23: {  	[tilespmem:s18], [sflag:$0x1] =	stream.indirect.gather [hbm4b:s4+s17], $0x80, s3, s17, $0xb8;
	[tilespmem:$0x1EDC0] =	vst v63  }
0x24: {  	_ = 	snop  }
0x25: {  	[tilespmem:s20], [sflag:$0x2] =	stream.indirect.gather [hbm4b:s4+s17], $0x80, s19, s17, $0xb8;
	[tilespmem:$0x1EDC0] =	vst v63  }
0x26: {  	[bflag:$0x0] =	sbarrier.arrive $0xFFFF  }
0x27: {  	_ =	swait.ge [sflag:s21], $0x3200  }
0x28: {  	[sflag:s21] =	ssyncset.done $0x0  }
0x29: {  	s29 =	simm.s32 $0x28A0;
	[sflag:s21] =	ssyncadd.s32 $0xFFFFCE00  }
0x2a: {  	[spmem:s2] =	stream.indirect.scatter.add.f32 [tilespmem:s18], [sflag:$0x3], $0x80, s29, s17, $0xb8;
	[tilespmem:$0x1EDC0] =	vst v63  }
0x2b: {  	_ =	swait.ge [sflag:s14], $0x3200  }
0x2c: {  	[sflag:s14] =	ssyncset.done $0x0  }
0x2d: {  	s30 =	simm.s32 $0xD0;
	[sflag:s14] =	ssyncadd.s32 $0xFFFFCE00  }
0x2e: {  	[tilespmem:s18], [sflag:$0x1] =	stream.indirect.gather [hbm4b:s4+s17], $0x80, s30, s17, $0xb8;
	[tilespmem:$0x1EDC0] =	vst v63  }
0x2f: {  	_ =	swait.ge [sflag:s22], $0x3200  }
0x30: {  	[sflag:s22] =	ssyncset.done $0x0  }
0x31: {  	s31 =	simm.s32 $0x2908;
	[sflag:s22] =	ssyncadd.s32 $0xFFFFCE00  }
0x32: {  	[spmem:s2] =	stream.indirect.scatter.add.f32 [tilespmem:s20], [sflag:$0x3], $0x80, s31, s17, $0xb8;
	[tilespmem:$0x1EDC0] =	vst v63  }
0x33: {  	_ =	swait.ge [sflag:s14], $0x3200  }
0x34: {  	[sflag:s14] =	ssyncset.done $0x0  }
0x35: {  	s28 =	simm.s32 $0x138;
	s26 =	simm.s32 $0x340;
	[sflag:s14] =	ssyncadd.s32 $0xFFFFCE00  }
.LBB2_2:
0x36: {  	[tilespmem:s20], [sflag:$0x2] =	stream.indirect.gather [hbm4b:s4+s17], $0x80, s28, s17, $0xb8;
	[tilespmem:$0x1EDC0] =	vst v63  }
0x37: {  	s28 =	smov.u32 s26  }
0x38: {  	p1 =	sne.s32 s26, $0x9C00;
	s26 =	sadd.s32 $0x340, s26;
	_ =	swait.ge [sflag:s21], $0x3200  }
0x39: {  	s28 =	sshra.s32 s28, $0x2;
	[sflag:s21] =	ssyncset.done $0x0  }
0x3a: {  	s29 =	sadd.s32 $0x28A0, s28;
	[sflag:s21] =	ssyncadd.s32 $0xFFFFCE00  }
0x3b: {  	[spmem:s2] =	stream.indirect.scatter.add.f32 [tilespmem:s18], [sflag:$0x3], $0x80, s29, s17, $0xb8;
	[tilespmem:$0x1EDC0] =	vst v63  }
0x3c: {  	_ =	swait.ge [sflag:s14], $0x3200  }
0x3d: {  	[sflag:s14] =	ssyncset.done $0x0  }
0x3e: {  	s29 =	sadd.s32 $0xD0, s28;
	[sflag:s14] =	ssyncadd.s32 $0xFFFFCE00  }
0x3f: {  	[tilespmem:s18], [sflag:$0x1] =	stream.indirect.gather [hbm4b:s4+s17], $0x80, s29, s17, $0xb8;
	[tilespmem:$0x1EDC0] =	vst v63  }
0x40: {  	_ =	swait.ge [sflag:s22], $0x3200  }
0x41: {  	[sflag:s22] =	ssyncset.done $0x0  }
.Ltmp0:
0x42: {  	s29 =	sadd.s32 $0x2908, s28;
	[sflag:s22] =	ssyncadd.s32 $0xFFFFCE00;
	(pc) =	sbr.rel @p1 .LBB2_2-.Ltmp0, $4  }
0x43: {  	[spmem:s2] =	stream.indirect.scatter.add.f32 [tilespmem:s20], [sflag:$0x3], $0x80, s29, s17, $0xb8;
	[tilespmem:$0x1EDC0] =	vst v63  }
0x44: {  	_ =	swait.ge [sflag:s14], $0x3200  }
0x45: {  	[sflag:s14] =	ssyncset.done $0x0  }
0x46: {  	s28 =	sadd.s32 $0x138, s28;
	[sflag:s14] =	ssyncadd.s32 $0xFFFFCE00  }
0x47: {  	[tilespmem:s20], [sflag:$0x2] =	stream.indirect.gather [hbm4b:s4+s17], $0x80, s28, s17, $0xb8;
	[tilespmem:$0x1EDC0] =	vst v63  }
0x48: {  	_ =	swait.ge [sflag:s21], $0x3200  }
0x49: {  	[sflag:s21] =	ssyncset.done $0x0  }
0x4a: {  	[sflag:s21] =	ssyncadd.s32 $0xFFFFCE00  }
0x4b: {  	[spmem:s2] =	stream.indirect.scatter.add.f32 [tilespmem:s18], [sflag:$0x3], $0x80, s23, s17, $0xb8;
	[tilespmem:$0x1EDC0] =	vst v63  }
0x4c: {  	_ =	swait.ge [sflag:s14], $0x3200  }
0x4d: {  	[sflag:s14] =	ssyncset.done $0x0  }
0x4e: {  	[sflag:s14] =	ssyncadd.s32 $0xFFFFCE00  }
0x4f: {  	_ =	swait.ge [sflag:s22], $0x3200  }
0x50: {  	[sflag:s22] =	ssyncset.done $0x0  }
0x51: {  	[sflag:s22] =	ssyncadd.s32 $0xFFFFCE00  }
0x52: {  	[spmem:s2] =	stream.indirect.scatter.add.f32 [tilespmem:s20], [sflag:$0x3], $0x80, s24, s17, $0xb8;
	[tilespmem:$0x1EDC0] =	vst v63  }
0x53: {  	_ =	swait.ge [sflag:s14], $0x3200  }
0x54: {  	[sflag:s14] =	ssyncset.done $0x0  }
0x55: {  	[sflag:s14] =	ssyncadd.s32 $0xFFFFCE00  }
0x56: {  	[bflag:$0x0] =	sbarrier.arrive $0xFFFF  }
0x57: {  	[hbm:s10], [sflag:s6] =	dma.local [spmem:s13], $0x2700  }
0x58: {  	s25 =	sadd.s32 $0x1, s25;
	_ =	swait.ge [sflag:s14], $0x2700  }
0x59: {  	p1 =	sne.s32 s25, s12;
	[sflag:s14] =	ssyncset.done $0x0  }
.Ltmp1:
0x5a: {  	s26 =	simm.s32 @!p0 $0x3;
	[sflag:s14] =	ssyncadd.s32 $0xFFFFD900;
	(pc) =	sbr.rel @p1 .LBB2_1-.Ltmp1, $4  }
0x5b: {  	[hbm:s11], [sflag:s6] =	dma.local @!p0 [spmem:s15], $0x100  }
0x5c: {  	_ =	swait.ge @!p0 [sflag:s26], $0x100  }
0x5d: {  	[sflag:s26] =	ssyncset.done @!p0 $0x0  }
0x5e: {  	[sflag:s26] =	ssyncadd.s32 @!p0 $0xFFFFFF00  }
0x5f: {  	_ =	sfence.sel $0x180000  }
0x60: {  	[bflag:$0x0] =	sbarrier.arrive $0xFFFF  }
0x61: {  	p0 =	sne.s32 s0, $0x0;
	_ =	strace $0x9000004A  }
0x62: {  	s0 =	sadd.s32 @!p0 $0x100000, s1;
	[bflag:$0x2] =	sbarrier.arrive $0xFFFF  }
0x63: {  	[sflag:s0] =	ssyncadd.tile.s32 @!p0 $0x1;
	_ =	shalt  }
.Lfunc_end2:
_tile_overlayer_lowered:
.L_overlay_start_2:
0x64: {  	(tag) =	ssettag $0x2  }
0x65: {  	s0 =	rddreg [dreg:$0x0];
	s2 =	stileid.u32  }
0x66: {  	s1 =	rddreg [dreg:$0x1];
	p0 =	sne.s32 s2, $0x0  }
0x67: {  	s3 =	rddreg [dreg:$0x2];
	[bflag:$0x3] =	sbarrier.arrive $0xFFFF;
	s2 =	simm.s32 @!p0 $0x1C03  }
0x68: {  	[timem:s3], [sflag:s2] =	dma.local @!p0 [hbm:s0], s1  }
0x69: {  	s0 =	simm.s32 @!p0 $0x3  }
0x6a: {  	_ =	swait.ge @!p0 [sflag:s0], s1  }
0x6b: {  	s1 =	ssub.s32 @!p0 $0x0, s1;
	[sflag:s0] =	ssyncset.done @!p0 $0x0  }
0x6c: {  	[sflag:s0] =	ssyncadd.s32 @!p0 s1  }
0x6d: {  	[bflag:$0x3] =	sbarrier.arrive $0xFFFF  }
0x6e: {  	_ =	shalt  }

// kernel: kernel.14.cloned.1.call-start
scs
__scs_entry_jumppad:
0x0: {  	(pc) =	sbr.rel $0x88, $3  }
0x1: {  	(tag) =	ssettag $0x0;
	lr =	simm.s32 $0x1  }
0x2: {  	[smem:$0x3F98] =	sst lr;
	_ =	strace $0xD0000000  }
0x3: {  	_ = 	snop  }
0x4: {  	_ = 	snop  }
0x5: {  	_ = 	snop  }
0x6: {  	_ = 	snop  }
0x7: {  	_ = 	snop  }
__scs_overlays_trampoline_lowered:
0x8: {  	[smem:$0x3FA7] =	sst s0  }
0x9: {  	[smem:$0x3FA8] =	sst s1  }
0xa: {  	[smem:$0x3FA9] =	sst s2  }
0xb: {  	[smem:$0x3FAA] =	sst s3  }
0xc: {  	[smem:$0x3FAB] =	sst s4  }
0xd: {  	[smem:$0x3FAC] =	sst s5  }
0xe: {  	[smem:$0x3FAD] =	sst s6  }
0xf: {  	[smem:$0x3FAE] =	sst s7  }
0x10: {  	[smem:$0x3FAF] =	sst s8  }
0x11: {  	[smem:$0x3FB0] =	sst s9;
	s0 =	simm.s32 @!p0 $0x0  }
0x12: {  	s1 =	sld [smem:$0x3F96];
	s0 =	simm.s32 @p0 $0x1  }
0x13: {  	[smem:$0x3FB1] =	sst s0;
	s0 =	simm.s32 @!p1 $0x0  }
0x14: {  	s2 =	sld [smem:$0x3F95];
	s0 =	simm.s32 @p1 $0x1  }
0x15: {  	[smem:$0x3FB2] =	sst s0;
	s0 =	simm.s32 @!p2 $0x0  }
0x16: {  	s3 =	sld [smem:$0x3FDB];
	s0 =	simm.s32 @p2 $0x1  }
0x17: {  	s4 =	simm.s32 $0x1BF5;
	[smem:$0x3FB4] =	sst s0  }
0x18: {  	s0 =	sld [smem:$0x3F97];
	_ =	swait.ge [sflag:s4], $0x0  }
0x19: {  	s7 =	sld [smem:$0x3F98]  }
0x1a: {  	s8 =	sadd.s32 $0xFFFFE003, lr  }
0x1b: {  	s9 =	sadd.s32 $0xFFFFFEF7, lr;
	s5 =	simm.s32 $0xFFFFFFFF;
	p2 =	slt.u32 s8, $0xFFFFF086  }
0x1c: {  	p1 =	slt.u32 s9, $0xF7A;
	s5 =	simm.s32 @!p2 $0x0  }
0x1d: {  	s5 =	simm.s32 @p1 $0x1;
	p0 =	seq.s32 s7, s2  }
0x1e: {  	s7 =	smul.u32 @!p0 $0xF7A, s2;
	p2 =	seq.s32 @!p0 s5, $0x0  }
0x1f: {  	s9 =	smul.u32 $0xF7A, s1;
	s8 =	simm.s32 @!p0 $0x1BF5;
	p2 =	por !p2, p0  }
0x20: {  	[sflag:s8] =	ssyncset.s32 @!p0 $0xFFFFF086;
	s6 =	sadd.s32 @!p0 s3, s7;
	s7 =	simm.s32 @!p0 $0x108  }
0x21: {  	s3 =	sadd.s32 s3, s9;
	s6 =	sadd.s32 @!p0 $0x88, s6;
	s7 =	simm.s32 @p2 $0x1082  }
0x22: {  	[simem:s7], [sflag:s8] =	dma.local @!p0 [hbm:s6], $0xF7A  }
0x23: {  	s9 =	sor.u32 $0xD0000000, s2;
	s6 =	simm.s32 $0x108;
	_ =	swait.ge @!p0 [sflag:s8], $0x0  }
0x24: {  	s3 =	sadd.s32 $0x88, s3;
	s6 =	simm.s32 @!p1 $0x1082;
	[sflag:s4] =	ssyncset.s32 $0xFFFFF086  }
0x25: {  	[simem:s6], [sflag:s4] =	dma.local [hbm:s3], $0xF7A  }
0x26: {  	[smem:$0x3F98] =	sst s1;
	(tag) =	ssettag s2;
	_ =	strace s9  }
0x27: {  	s1 =	sld [smem:$0x3FA8]  }
0x28: {  	s2 =	sld [smem:$0x3FA9]  }
0x29: {  	s4 =	sld [smem:$0x3FAB]  }
0x2a: {  	p0 =	seq.s32 s5, $0x0;
	s5 =	sld [smem:$0x3FAC]  }
0x2b: {  	s6 =	sld [smem:$0x3FAD]  }
0x2c: {  	s7 =	sld [smem:$0x3FAE]  }
0x2d: {  	s3 =	simm.s32 $0x108;
	s8 =	sld [smem:$0x3FAF]  }
0x2e: {  	s3 =	simm.s32 @!p0 $0x1082;
	s9 =	sld [smem:$0x3FB0]  }
0x2f: {  	lr =	sadd.s32 s0, s3;
	s0 =	sld [smem:$0x3FA7]  }
0x30: {  	s3 =	sld [smem:$0x3FAA]  }
0x31: {  	[smem:$0x3FB3] =	sst s10  }
0x32: {  	s10 =	sld [smem:$0x3FB1];
	_ =	sdelay $0x3  }
0x33: {  	p0 =	seq.s32 s10, $0x1;
	s10 =	sld [smem:$0x3FB3];
	_ =	sdelay $0x3  }
0x34: {  	[smem:$0x3FB3] =	sst s10  }
0x35: {  	s10 =	sld [smem:$0x3FB2];
	_ =	sdelay $0x3  }
0x36: {  	p1 =	seq.s32 s10, $0x1;
	s10 =	sld [smem:$0x3FB3];
	_ =	sdelay $0x3  }
0x37: {  	[smem:$0x3FB3] =	sst s10  }
0x38: {  	s10 =	sld [smem:$0x3FB4]  }
0x39: {  	_ = 	snop;
	(pc) =	sbr.ind lr, $3  }
0x3a: {  	_ = 	snop  }
0x3b: {  	_ = 	snop  }
0x3c: {  	p2 =	seq.s32 s10, $0x1;
	s10 =	sld [smem:$0x3FB3]  }
0x3d: {  	_ =	shalt  }
0x3e: {  	_ =	shalt  }
0x3f: {  	_ =	shalt  }
0x40: {  	_ =	shalt  }
0x41: {  	_ =	shalt  }
0x42: {  	_ =	shalt  }
0x43: {  	_ =	shalt  }
0x44: {  	_ =	shalt  }
0x45: {  	_ =	shalt  }
0x46: {  	_ =	shalt  }
0x47: {  	_ =	shalt  }
0x48: {  	_ =	shalt  }
0x49: {  	_ =	shalt  }
0x4a: {  	_ =	shalt  }
0x4b: {  	_ =	shalt  }
0x4c: {  	_ =	shalt  }
0x4d: {  	_ =	shalt  }
0x4e: {  	_ =	shalt  }
0x4f: {  	_ =	shalt  }
0x50: {  	_ =	shalt  }
0x51: {  	_ =	shalt  }
0x52: {  	_ =	shalt  }
0x53: {  	_ =	shalt  }
0x54: {  	_ =	shalt  }
0x55: {  	_ =	shalt  }
0x56: {  	_ =	shalt  }
0x57: {  	_ =	shalt  }
0x58: {  	_ =	shalt  }
0x59: {  	_ =	shalt  }
0x5a: {  	_ =	shalt  }
0x5b: {  	_ =	shalt  }
0x5c: {  	_ =	shalt  }
0x5d: {  	_ =	shalt  }
0x5e: {  	_ =	shalt  }
0x5f: {  	_ =	shalt  }
0x60: {  	_ =	shalt  }
0x61: {  	_ =	shalt  }
0x62: {  	_ =	shalt  }
0x63: {  	_ =	shalt  }
0x64: {  	_ =	shalt  }
0x65: {  	_ =	shalt  }
0x66: {  	_ =	shalt  }
0x67: {  	_ =	shalt  }
0x68: {  	_ =	shalt  }
0x69: {  	_ =	shalt  }
0x6a: {  	_ =	shalt  }
0x6b: {  	_ =	shalt  }
0x6c: {  	_ =	shalt  }
0x6d: {  	_ =	shalt  }
0x6e: {  	_ =	shalt  }
0x6f: {  	_ =	shalt  }
0x70: {  	_ =	shalt  }
0x71: {  	_ =	shalt  }
0x72: {  	_ =	shalt  }
0x73: {  	_ =	shalt  }
0x74: {  	_ =	shalt  }
0x75: {  	_ =	shalt  }
0x76: {  	_ =	shalt  }
0x77: {  	_ =	shalt  }
0x78: {  	_ =	shalt  }
0x79: {  	_ =	shalt  }
0x7a: {  	_ =	shalt  }
0x7b: {  	_ =	shalt  }
0x7c: {  	_ =	shalt  }
0x7d: {  	_ =	shalt  }
0x7e: {  	_ =	shalt  }
0x7f: {  	_ =	shalt  }
0x80: {  	_ =	shalt  }
0x81: {  	_ =	shalt  }
0x82: {  	_ =	shalt  }
0x83: {  	_ =	shalt  }
0x84: {  	_ =	shalt  }
0x85: {  	_ =	shalt  }
0x86: {  	_ =	shalt  }
0x87: {  	_ =	shalt  }
.Lfunc_end0:
.L_simem_size_0:
called_computation.2_lowered:
.L_overlay_start_0:
0x88: {  	s2 =	sld [smem:$0x3FD9]  }
0x89: {  	s3 =	sld [smem:$0x3FFE];
	_ =	sdelay $0x1  }
0x8a: {  	s1 =	srdreg.scid  }
0x8b: {  	s0 =	sand.u32 $0x1, s1  }
0x8c: {  	s16 =	sshll.u32 s0, $0xA;
	s2 =	sadd.s32 s3, s2  }
0x8d: {  	s2 =	sadd.s32 s2, s16  }
0x8e: {  	[smem:$0x3FBF] =	sst s2  }
0x8f: {  	_ = 	snop  }
0x90: {  	(tm) =	ssettm $0x1  }
0x91: {  	s17 =	sld [smem:$0x3FFB];
	_ =	sdelay $0x3  }
0x92: {  	_ =	strace s17  }
0x93: {  	s2 =	sld [smem:$0x3FFC];
	_ =	sdelay $0x3  }
0x94: {  	_ =	strace s2  }
0x95: {  	s2 =	sld [smem:$0x3FFD];
	_ =	sdelay $0x3  }
0x96: {  	_ =	strace s2  }
0x97: {  	_ =	strace $0x8FFFFFFF  }
0x98: {  	s18 =	sld [smem:$0x3FDB];
	_ =	sdelay $0x1  }
0x99: {  	s19 =	simm.s32 $_scs_section_size  }
0x9a: {  	s4 =	simm.s32 $_size__tile_overlayer_lowered;
	s5 =	simm.s32 $_tile_overlayer_lowered  }
0x9b: {  	s22 =	simm.s32 $0x1BFF;
	s21 =	sshll.u32 s5, $0x1;
	s2 =	sadd.s32 s19, s18  }
0x9c: {  	s6 =	simm.s32 $0x0;
	s20 =	sshll.u32 s4, $0x1;
	s4 =	sadd.s32 s21, s2  }
0x9d: {  	[timem:s6], [sflag:s22] =	dma.local [hbm:s4], s20  }
0x9e: {  	_ =	swait.ge [sflag:s22], s20  }
0x9f: {  	s3 =	ssub.s32 $0x0, s20;
	[sflag:s22] =	ssyncset.done $0x0  }
0xa0: {  	[sflag:s22] =	ssyncadd.s32 s3;
	_ =	sdelay $0x1  }
0xa1: {  	s23 =	simm.s32 $0x1B8B  }
0xa2: {  	_ =	swait.ge [sflag:s23], $0x1  }
0xa3: {  	[sflag:s23] =	ssyncset.done $0x0  }
0xa4: {  	s25 =	simm.s32 $0x1B8E;
	s24 =	sld [smem:$0x3FFE];
	[sflag:s23] =	ssyncadd.s32 $0xFFFFFFFF  }
0xa5: {  	s26 =	simm.s32 $execute0_lowered;
	[smem:$0x3FD2] =	sst s25  }
0xa6: {  	s4 =	sshll.u32 s26, $0x1;
	_ =	strace $0x8000004C;
	[dreg:$0x1] =	wrdreg $0xFFFFFFFF  }
0xa7: {  	s28 =	simm.s32 $_size_execute0_lowered;
	s2 =	sadd.s32 s2, s4;
	[dreg:$0x0] =	wrdreg $0x0  }
0xa8: {  	s4 =	sshll.u32 s28, $0x1;
	[dreg:$0x2] =	wrdreg s2  }
0xa9: {  	[dreg:$0x3] =	wrdreg s4  }
0xaa: {  	[dreg:$0x4] =	wrdreg $0xC0  }
0xab: {  	_ =	task [dreg:s6], $0x5FFFF  }
0xac: {  	[dreg:$0x1] =	wrdreg $0xFFFFFFFF  }
0xad: {  	[dreg:$0x0] =	wrdreg $0x60  }
0xae: {  	[dreg:$0x2] =	wrdreg s24  }
0xaf: {  	[dreg:$0x3] =	wrdreg $0xB5400  }
0xb0: {  	[dreg:$0x4] =	wrdreg $0x9  }
0xb1: {  	_ =	task.clear_ibuf [dreg:s6], $0x5FFFF;
	_ =	strace $0x9000004C  }
0xb2: {  	s29 =	simm.s32 $0x9;
	_ =	strace $0x8000004E  }
0xb3: {  	_ =	swait.ge [sflag:s29], $0x1  }
0xb4: {  	[sflag:s29] =	ssyncadd.s32 $0xFFFFFFFF  }
0xb5: {  	_ =	strace $0x9000004E  }
0xb6: {  	_ =	sfence  }
0xb7: {  	s30 =	sld [smem:$0x0];
	_ =	sdelay $0x2  }
0xb8: {  	s31 =	sshll.u32 s1, $0xD;
	s1 =	sshrl.u32 s1, $0x2  }
0xb9: {  	s3 =	sand.u32 $0x4000, s31;
	s1 =	sadd.s32 s1, s30  }
0xba: {  	s0 =	sor.u32 s3, s0;
	s1 =	sshll.u32 s1, $0x11  }
0xbb: {  	s0 =	sor.u32 s1, s0  }
0xbc: {  	s0 =	sadd.s32 $0x8F2B, s0  }
0xbd: {  	[sflag:s0] =	ssyncadd.remote.s32 $0x1  }
0xbe: {  	_ =	sfence.sel $0xFFFF  }
0xbf: {  	[dreg:$0x0] =	wrdreg $0xFFFFFFFF;
	(pc) =	sbr.abs _section_cstart, $3  }
0xc0: {  	[dreg:$0x1] =	wrdreg $0xFFFFFFFF  }
0xc1: {  	_ =	task.clear_ibuf [dreg:s6], $0x2FFFF;
	_ =	strace $0x9FFFFFFF  }
0xc2: {  	(tm) =	ssettm $0x7FFFFFFF  }
0xc3: {  	_ =	shalt  }
tec
execute0_lowered:
.L_overlay_start_1:
0x0: {  	(tag) =	ssettag $0x1  }
0x1: {  	s0 =	srdreg.scid;
	s8 =	rddreg [dreg:$0x0]  }
0x2: {  	s2 =	rddreg [dreg:$0x1];
	s3 =	simm.s32 $0x0;
	s18 =	simm.s32 $0x5140  }
0x3: {  	s19 =	simm.s32 $0x68;
	s20 =	simm.s32 $0x8340;
	s21 =	simm.s32 $0x1  }
0x4: {  	s22 =	simm.s32 $0x2;
	s23 =	simm.s32 $0x5070;
	s24 =	simm.s32 $0x50D8  }
0x5: {  	s25 =	simm.s32 $0x0;
	s7 =	sand.u32 $0x1, s0;
	s0 =	stileid.u32  }
0x6: {  	[smem:$0x7FF] =	sst s3;
	s12 =	sadd.s32 $0x7A600, s8;
	s6 =	smul.u32 $0x13800, s0  }
0x7: {  	s16 =	sadd.s32 $0x138000, s2;
	s1 =	sshll.u32 s7, $0x4;
	s29 =	smul.u32 $0x2700, s0  }
0x8: {  	s10 =	ssub.s32 $0x2, s7;
	s30 =	sshll.u32 s0, $0x6;
	s31 =	smul.u32 $0x138800, s7  }
0x9: {  	s15 =	smul.u32 $0x27100, s7;
	s7 =	sadd.s32 $0x7A400, s8;
	p0 =	sne.s32 s0, $0xF  }
0xa: {  	s4 =	sor.u32 s0, s1;
	s1 =	rddreg [dreg:$0x2];
	_ =	strace $0x8000004D  }
0xb: {  	s28 =	sshrl.u32 s10, $0x1;
	s5 =	smul.u32 $0x28A0, s4;
	s4 =	sadd.s32 $0x2C200, s8  }
0xc: {  	s9 =	sshrl.u32 s6, $0x3;
	s13 =	ssub.s32 s10, s28;
	s14 =	sadd.s32 s6, s2  }
0xd: {  	s6 =	sor.u32 $0x1C03, s30;
	s10 =	sshrl.u32 s31, $0x3;
	s15 =	sadd.s32 s29, s15  }
0xe: {  	s26 =	sadd.s32 s9, s8;
	s17 =	sadd.s32 s12, s10;
	s10 =	sadd.s32 s12, s15  }
0xf: {  	s12 =	smax.u32 s13, $0x1;
	s13 =	sshrl.u32 s14, $0x3;
	s5 =	sshrl.u32 s5, $0x3  }
0x10: {  	s14 =	simm.s32 $0x3;
	s15 =	sshrl.u32 @!p0 s16, $0x3;
	s11 =	sadd.s32 s5, s8  }
0x11: {  	s16 =	simm.s32 $0x28A0;
	s5 =	sadd.s32 $0x53400, s26;
	s8 =	sadd.s32 $0x17C00, s11  }
0x12: {  	s9 =	sadd.s32 $0x21E80, s11;
	s11 =	sadd.s32 $0x27000, s17;
	s17 =	simm.s32 $0x64  }
.LBB2_1:
0x13: {  	[spmem:s13], [sflag:s6] =	dma.local [hbm:s5], $0x2700  }
0x14: {  	_ =	swait.ge [sflag:s14], $0x2700  }
0x15: {  	[sflag:s14] =	ssyncset.done $0x0  }
0x16: {  	s26 =	simm.s32 @!p0 $0x3;
	[sflag:s14] =	ssyncadd.s32 $0xFFFFD900  }
0x17: {  	[spmem:s15], [sflag:s6] =	dma.local @!p0 [hbm:s7], $0x100  }
0x18: {  	_ =	swait.ge @!p0 [sflag:s26], $0x100  }
0x19: {  	[sflag:s26] =	ssyncset.done @!p0 $0x0  }
0x1a: {  	[sflag:s26] =	ssyncadd.s32 @!p0 $0xFFFFFF00  }
0x1b: {  	[tilespmem:s3], [sflag:$0x3] =	stream.linear.gather [hbm4b:s8+s3], $0x28A0, $0x38;
	[tilespmem:$0x1EDC0] =	vst v63  }
0x1c: {  	_ =	swait.ge [sflag:s14], $0x28A0  }
0x1d: {  	[sflag:s14] =	ssyncset.done $0x0  }
0x1e: {  	[sflag:s14] =	ssyncadd.s32 $0xFFFFD760  }
0x1f: {  	[tilespmem:s16], [sflag:$0x3] =	stream.linear.gather [hbm4b:s9+s3], $0x28A0, $0x38;
	[tilespmem:$0x1EDC0] =	vst v63  }
0x20: {  	_ =	swait.ge [sflag:s14], $0x28A0  }
0x21: {  	[sflag:s14] =	ssyncset.done $0x0  }
0x22: {  	[sflag:s14] =	ssyncadd.s32 $0xFFFFD760  }
0x23: {  	[tilespmem:s18], [sflag:$0x1] =	stream.indirect.gather [hbm4b:s4+s17], $0x80, s3, s17, $0xb8;
	[tilespmem:$0x1EDC0] =	vst v63  }
0x24: {  	_ = 	snop  }
0x25: {  	[tilespmem:s20], [sflag:$0x2] =	stream.indirect.gather [hbm4b:s4+s17], $0x80, s19, s17, $0xb8;
	[tilespmem:$0x1EDC0] =	vst v63  }
0x26: {  	[bflag:$0x0] =	sbarrier.arrive $0xFFFF  }
0x27: {  	_ =	swait.ge [sflag:s21], $0x3200  }
0x28: {  	[sflag:s21] =	ssyncset.done $0x0  }
0x29: {  	s29 =	simm.s32 $0x28A0;
	[sflag:s21] =	ssyncadd.s32 $0xFFFFCE00  }
0x2a: {  	[spmem:s2] =	stream.indirect.scatter.add.f32 [tilespmem:s18], [sflag:$0x3], $0x80, s29, s17, $0xb8;
	[tilespmem:$0x1EDC0] =	vst v63  }
0x2b: {  	_ =	swait.ge [sflag:s14], $0x3200  }
0x2c: {  	[sflag:s14] =	ssyncset.done $0x0  }
0x2d: {  	s30 =	simm.s32 $0xD0;
	[sflag:s14] =	ssyncadd.s32 $0xFFFFCE00  }
0x2e: {  	[tilespmem:s18], [sflag:$0x1] =	stream.indirect.gather [hbm4b:s4+s17], $0x80, s30, s17, $0xb8;
	[tilespmem:$0x1EDC0] =	vst v63  }
0x2f: {  	_ =	swait.ge [sflag:s22], $0x3200  }
0x30: {  	[sflag:s22] =	ssyncset.done $0x0  }
0x31: {  	s31 =	simm.s32 $0x2908;
	[sflag:s22] =	ssyncadd.s32 $0xFFFFCE00  }
0x32: {  	[spmem:s2] =	stream.indirect.scatter.add.f32 [tilespmem:s20], [sflag:$0x3], $0x80, s31, s17, $0xb8;
	[tilespmem:$0x1EDC0] =	vst v63  }
0x33: {  	_ =	swait.ge [sflag:s14], $0x3200  }
0x34: {  	[sflag:s14] =	ssyncset.done $0x0  }
0x35: {  	s28 =	simm.s32 $0x138;
	s26 =	simm.s32 $0x340;
	[sflag:s14] =	ssyncadd.s32 $0xFFFFCE00  }
.LBB2_2:
0x36: {  	[tilespmem:s20], [sflag:$0x2] =	stream.indirect.gather [hbm4b:s4+s17], $0x80, s28, s17, $0xb8;
	[tilespmem:$0x1EDC0] =	vst v63  }
0x37: {  	s28 =	smov.u32 s26  }
0x38: {  	p1 =	sne.s32 s26, $0x9C00;
	s26 =	sadd.s32 $0x340, s26;
	_ =	swait.ge [sflag:s21], $0x3200  }
0x39: {  	s28 =	sshra.s32 s28, $0x2;
	[sflag:s21] =	ssyncset.done $0x0  }
0x3a: {  	s29 =	sadd.s32 $0x28A0, s28;
	[sflag:s21] =	ssyncadd.s32 $0xFFFFCE00  }
0x3b: {  	[spmem:s2] =	stream.indirect.scatter.add.f32 [tilespmem:s18], [sflag:$0x3], $0x80, s29, s17, $0xb8;
	[tilespmem:$0x1EDC0] =	vst v63  }
0x3c: {  	_ =	swait.ge [sflag:s14], $0x3200  }
0x3d: {  	[sflag:s14] =	ssyncset.done $0x0  }
0x3e: {  	s29 =	sadd.s32 $0xD0, s28;
	[sflag:s14] =	ssyncadd.s32 $0xFFFFCE00  }
0x3f: {  	[tilespmem:s18], [sflag:$0x1] =	stream.indirect.gather [hbm4b:s4+s17], $0x80, s29, s17, $0xb8;
	[tilespmem:$0x1EDC0] =	vst v63  }
0x40: {  	_ =	swait.ge [sflag:s22], $0x3200  }
0x41: {  	[sflag:s22] =	ssyncset.done $0x0  }
.Ltmp0:
0x42: {  	s29 =	sadd.s32 $0x2908, s28;
	[sflag:s22] =	ssyncadd.s32 $0xFFFFCE00;
	(pc) =	sbr.rel @p1 .LBB2_2-.Ltmp0, $4  }
0x43: {  	[spmem:s2] =	stream.indirect.scatter.add.f32 [tilespmem:s20], [sflag:$0x3], $0x80, s29, s17, $0xb8;
	[tilespmem:$0x1EDC0] =	vst v63  }
0x44: {  	_ =	swait.ge [sflag:s14], $0x3200  }
0x45: {  	[sflag:s14] =	ssyncset.done $0x0  }
0x46: {  	s28 =	sadd.s32 $0x138, s28;
	[sflag:s14] =	ssyncadd.s32 $0xFFFFCE00  }
0x47: {  	[tilespmem:s20], [sflag:$0x2] =	stream.indirect.gather [hbm4b:s4+s17], $0x80, s28, s17, $0xb8;
	[tilespmem:$0x1EDC0] =	vst v63  }
0x48: {  	_ =	swait.ge [sflag:s21], $0x3200  }
0x49: {  	[sflag:s21] =	ssyncset.done $0x0  }
0x4a: {  	[sflag:s21] =	ssyncadd.s32 $0xFFFFCE00  }
0x4b: {  	[spmem:s2] =	stream.indirect.scatter.add.f32 [tilespmem:s18], [sflag:$0x3], $0x80, s23, s17, $0xb8;
	[tilespmem:$0x1EDC0] =	vst v63  }
0x4c: {  	_ =	swait.ge [sflag:s14], $0x3200  }
0x4d: {  	[sflag:s14] =	ssyncset.done $0x0  }
0x4e: {  	[sflag:s14] =	ssyncadd.s32 $0xFFFFCE00  }
0x4f: {  	_ =	swait.ge [sflag:s22], $0x3200  }
0x50: {  	[sflag:s22] =	ssyncset.done $0x0  }
0x51: {  	[sflag:s22] =	ssyncadd.s32 $0xFFFFCE00  }
0x52: {  	[spmem:s2] =	stream.indirect.scatter.add.f32 [tilespmem:s20], [sflag:$0x3], $0x80, s24, s17, $0xb8;
	[tilespmem:$0x1EDC0] =	vst v63  }
0x53: {  	_ =	swait.ge [sflag:s14], $0x3200  }
0x54: {  	[sflag:s14] =	ssyncset.done $0x0  }
0x55: {  	[sflag:s14] =	ssyncadd.s32 $0xFFFFCE00  }
0x56: {  	[bflag:$0x0] =	sbarrier.arrive $0xFFFF  }
0x57: {  	[hbm:s10], [sflag:s6] =	dma.local [spmem:s13], $0x2700  }
0x58: {  	s25 =	sadd.s32 $0x1, s25;
	_ =	swait.ge [sflag:s14], $0x2700  }
0x59: {  	p1 =	sne.s32 s25, s12;
	[sflag:s14] =	ssyncset.done $0x0  }
.Ltmp1:
0x5a: {  	s26 =	simm.s32 @!p0 $0x3;
	[sflag:s14] =	ssyncadd.s32 $0xFFFFD900;
	(pc) =	sbr.rel @p1 .LBB2_1-.Ltmp1, $4  }
0x5b: {  	[hbm:s11], [sflag:s6] =	dma.local @!p0 [spmem:s15], $0x100  }
0x5c: {  	_ =	swait.ge @!p0 [sflag:s26], $0x100  }
0x5d: {  	[sflag:s26] =	ssyncset.done @!p0 $0x0  }
0x5e: {  	[sflag:s26] =	ssyncadd.s32 @!p0 $0xFFFFFF00  }
0x5f: {  	_ =	sfence.sel $0x180000  }
0x60: {  	[bflag:$0x0] =	sbarrier.arrive $0xFFFF  }
0x61: {  	p0 =	sne.s32 s0, $0x0;
	_ =	strace $0x9000004D  }
0x62: {  	s0 =	sadd.s32 @!p0 $0x100000, s1;
	[bflag:$0x2] =	sbarrier.arrive $0xFFFF  }
0x63: {  	[sflag:s0] =	ssyncadd.tile.s32 @!p0 $0x1;
	_ =	shalt  }
.Lfunc_end2:
_tile_overlayer_lowered:
.L_overlay_start_2:
0x64: {  	(tag) =	ssettag $0x2  }
0x65: {  	s0 =	rddreg [dreg:$0x0];
	s2 =	stileid.u32  }
0x66: {  	s1 =	rddreg [dreg:$0x1];
	p0 =	sne.s32 s2, $0x0  }
0x67: {  	s3 =	rddreg [dreg:$0x2];
	[bflag:$0x3] =	sbarrier.arrive $0xFFFF;
	s2 =	simm.s32 @!p0 $0x1C03  }
0x68: {  	[timem:s3], [sflag:s2] =	dma.local @!p0 [hbm:s0], s1  }
0x69: {  	s0 =	simm.s32 @!p0 $0x3  }
0x6a: {  	_ =	swait.ge @!p0 [sflag:s0], s1  }
0x6b: {  	s1 =	ssub.s32 @!p0 $0x0, s1;
	[sflag:s0] =	ssyncset.done @!p0 $0x0  }
0x6c: {  	[sflag:s0] =	ssyncadd.s32 @!p0 s1  }
0x6d: {  	[bflag:$0x3] =	sbarrier.arrive $0xFFFF  }
0x6e: {  	_ =	shalt  }

// kernel: kernel.8.cloned.1.call-start
scs
__scs_entry_jumppad:
0x0: {  	(pc) =	sbr.rel $0x88, $3  }
0x1: {  	(tag) =	ssettag $0x0;
	lr =	simm.s32 $0x1  }
0x2: {  	[smem:$0x3F98] =	sst lr;
	_ =	strace $0xD0000000  }
0x3: {  	_ = 	snop  }
0x4: {  	_ = 	snop  }
0x5: {  	_ = 	snop  }
0x6: {  	_ = 	snop  }
0x7: {  	_ = 	snop  }
__scs_overlays_trampoline_lowered:
0x8: {  	[smem:$0x3FA7] =	sst s0  }
0x9: {  	[smem:$0x3FA8] =	sst s1  }
0xa: {  	[smem:$0x3FA9] =	sst s2  }
0xb: {  	[smem:$0x3FAA] =	sst s3  }
0xc: {  	[smem:$0x3FAB] =	sst s4  }
0xd: {  	[smem:$0x3FAC] =	sst s5  }
0xe: {  	[smem:$0x3FAD] =	sst s6  }
0xf: {  	[smem:$0x3FAE] =	sst s7  }
0x10: {  	[smem:$0x3FAF] =	sst s8  }
0x11: {  	[smem:$0x3FB0] =	sst s9;
	s0 =	simm.s32 @!p0 $0x0  }
0x12: {  	s1 =	sld [smem:$0x3F96];
	s0 =	simm.s32 @p0 $0x1  }
0x13: {  	[smem:$0x3FB1] =	sst s0;
	s0 =	simm.s32 @!p1 $0x0  }
0x14: {  	s2 =	sld [smem:$0x3F95];
	s0 =	simm.s32 @p1 $0x1  }
0x15: {  	[smem:$0x3FB2] =	sst s0;
	s0 =	simm.s32 @!p2 $0x0  }
0x16: {  	s3 =	sld [smem:$0x3FDB];
	s0 =	simm.s32 @p2 $0x1  }
0x17: {  	s4 =	simm.s32 $0x1BF5;
	[smem:$0x3FB4] =	sst s0  }
0x18: {  	s0 =	sld [smem:$0x3F97];
	_ =	swait.ge [sflag:s4], $0x0  }
0x19: {  	s7 =	sld [smem:$0x3F98]  }
0x1a: {  	s8 =	sadd.s32 $0xFFFFE003, lr  }
0x1b: {  	s9 =	sadd.s32 $0xFFFFFEF7, lr;
	s5 =	simm.s32 $0xFFFFFFFF;
	p2 =	slt.u32 s8, $0xFFFFF086  }
0x1c: {  	p1 =	slt.u32 s9, $0xF7A;
	s5 =	simm.s32 @!p2 $0x0  }
0x1d: {  	s5 =	simm.s32 @p1 $0x1;
	p0 =	seq.s32 s7, s2  }
0x1e: {  	s7 =	smul.u32 @!p0 $0xF7A, s2;
	p2 =	seq.s32 @!p0 s5, $0x0  }
0x1f: {  	s9 =	smul.u32 $0xF7A, s1;
	s8 =	simm.s32 @!p0 $0x1BF5;
	p2 =	por !p2, p0  }
0x20: {  	[sflag:s8] =	ssyncset.s32 @!p0 $0xFFFFF086;
	s6 =	sadd.s32 @!p0 s3, s7;
	s7 =	simm.s32 @!p0 $0x108  }
0x21: {  	s3 =	sadd.s32 s3, s9;
	s6 =	sadd.s32 @!p0 $0x88, s6;
	s7 =	simm.s32 @p2 $0x1082  }
0x22: {  	[simem:s7], [sflag:s8] =	dma.local @!p0 [hbm:s6], $0xF7A  }
0x23: {  	s9 =	sor.u32 $0xD0000000, s2;
	s6 =	simm.s32 $0x108;
	_ =	swait.ge @!p0 [sflag:s8], $0x0  }
0x24: {  	s3 =	sadd.s32 $0x88, s3;
	s6 =	simm.s32 @!p1 $0x1082;
	[sflag:s4] =	ssyncset.s32 $0xFFFFF086  }
0x25: {  	[simem:s6], [sflag:s4] =	dma.local [hbm:s3], $0xF7A  }
0x26: {  	[smem:$0x3F98] =	sst s1;
	(tag) =	ssettag s2;
	_ =	strace s9  }
0x27: {  	s1 =	sld [smem:$0x3FA8]  }
0x28: {  	s2 =	sld [smem:$0x3FA9]  }
0x29: {  	s4 =	sld [smem:$0x3FAB]  }
0x2a: {  	p0 =	seq.s32 s5, $0x0;
	s5 =	sld [smem:$0x3FAC]  }
0x2b: {  	s6 =	sld [smem:$0x3FAD]  }
0x2c: {  	s7 =	sld [smem:$0x3FAE]  }
0x2d: {  	s3 =	simm.s32 $0x108;
	s8 =	sld [smem:$0x3FAF]  }
0x2e: {  	s3 =	simm.s32 @!p0 $0x1082;
	s9 =	sld [smem:$0x3FB0]  }
0x2f: {  	lr =	sadd.s32 s0, s3;
	s0 =	sld [smem:$0x3FA7]  }
0x30: {  	s3 =	sld [smem:$0x3FAA]  }
0x31: {  	[smem:$0x3FB3] =	sst s10  }
0x32: {  	s10 =	sld [smem:$0x3FB1];
	_ =	sdelay $0x3  }
0x33: {  	p0 =	seq.s32 s10, $0x1;
	s10 =	sld [smem:$0x3FB3];
	_ =	sdelay $0x3  }
0x34: {  	[smem:$0x3FB3] =	sst s10  }
0x35: {  	s10 =	sld [smem:$0x3FB2];
	_ =	sdelay $0x3  }
0x36: {  	p1 =	seq.s32 s10, $0x1;
	s10 =	sld [smem:$0x3FB3];
	_ =	sdelay $0x3  }
0x37: {  	[smem:$0x3FB3] =	sst s10  }
0x38: {  	s10 =	sld [smem:$0x3FB4]  }
0x39: {  	_ = 	snop;
	(pc) =	sbr.ind lr, $3  }
0x3a: {  	_ = 	snop  }
0x3b: {  	_ = 	snop  }
0x3c: {  	p2 =	seq.s32 s10, $0x1;
	s10 =	sld [smem:$0x3FB3]  }
0x3d: {  	_ =	shalt  }
0x3e: {  	_ =	shalt  }
0x3f: {  	_ =	shalt  }
0x40: {  	_ =	shalt  }
0x41: {  	_ =	shalt  }
0x42: {  	_ =	shalt  }
0x43: {  	_ =	shalt  }
0x44: {  	_ =	shalt  }
0x45: {  	_ =	shalt  }
0x46: {  	_ =	shalt  }
0x47: {  	_ =	shalt  }
0x48: {  	_ =	shalt  }
0x49: {  	_ =	shalt  }
0x4a: {  	_ =	shalt  }
0x4b: {  	_ =	shalt  }
0x4c: {  	_ =	shalt  }
0x4d: {  	_ =	shalt  }
0x4e: {  	_ =	shalt  }
0x4f: {  	_ =	shalt  }
0x50: {  	_ =	shalt  }
0x51: {  	_ =	shalt  }
0x52: {  	_ =	shalt  }
0x53: {  	_ =	shalt  }
0x54: {  	_ =	shalt  }
0x55: {  	_ =	shalt  }
0x56: {  	_ =	shalt  }
0x57: {  	_ =	shalt  }
0x58: {  	_ =	shalt  }
0x59: {  	_ =	shalt  }
0x5a: {  	_ =	shalt  }
0x5b: {  	_ =	shalt  }
0x5c: {  	_ =	shalt  }
0x5d: {  	_ =	shalt  }
0x5e: {  	_ =	shalt  }
0x5f: {  	_ =	shalt  }
0x60: {  	_ =	shalt  }
0x61: {  	_ =	shalt  }
0x62: {  	_ =	shalt  }
0x63: {  	_ =	shalt  }
0x64: {  	_ =	shalt  }
0x65: {  	_ =	shalt  }
0x66: {  	_ =	shalt  }
0x67: {  	_ =	shalt  }
0x68: {  	_ =	shalt  }
0x69: {  	_ =	shalt  }
0x6a: {  	_ =	shalt  }
0x6b: {  	_ =	shalt  }
0x6c: {  	_ =	shalt  }
0x6d: {  	_ =	shalt  }
0x6e: {  	_ =	shalt  }
0x6f: {  	_ =	shalt  }
0x70: {  	_ =	shalt  }
0x71: {  	_ =	shalt  }
0x72: {  	_ =	shalt  }
0x73: {  	_ =	shalt  }
0x74: {  	_ =	shalt  }
0x75: {  	_ =	shalt  }
0x76: {  	_ =	shalt  }
0x77: {  	_ =	shalt  }
0x78: {  	_ =	shalt  }
0x79: {  	_ =	shalt  }
0x7a: {  	_ =	shalt  }
0x7b: {  	_ =	shalt  }
0x7c: {  	_ =	shalt  }
0x7d: {  	_ =	shalt  }
0x7e: {  	_ =	shalt  }
0x7f: {  	_ =	shalt  }
0x80: {  	_ =	shalt  }
0x81: {  	_ =	shalt  }
0x82: {  	_ =	shalt  }
0x83: {  	_ =	shalt  }
0x84: {  	_ =	shalt  }
0x85: {  	_ =	shalt  }
0x86: {  	_ =	shalt  }
0x87: {  	_ =	shalt  }
.Lfunc_end0:
.L_simem_size_0:
called_computation_lowered:
.L_overlay_start_0:
0x88: {  	s2 =	sld [smem:$0x3FD9]  }
0x89: {  	s3 =	sld [smem:$0x3FFE];
	_ =	sdelay $0x1  }
0x8a: {  	s1 =	srdreg.scid  }
0x8b: {  	s0 =	sand.u32 $0x1, s1  }
0x8c: {  	s17 =	sshll.u32 s0, $0xA;
	s2 =	sadd.s32 s3, s2  }
0x8d: {  	s2 =	sadd.s32 s2, s17  }
0x8e: {  	[smem:$0x3FBF] =	sst s2  }
0x8f: {  	_ = 	snop  }
0x90: {  	s2 =	sld [smem:$0x3FD0];
	(tm) =	ssettm $0x1  }
0x91: {  	s18 =	sld [smem:$0x3FFB];
	_ =	sdelay $0x3  }
0x92: {  	_ =	strace s18  }
0x93: {  	s3 =	sld [smem:$0x3FFC];
	_ =	sdelay $0x3  }
0x94: {  	_ =	strace s3  }
0x95: {  	s3 =	sld [smem:$0x3FFD];
	_ =	sdelay $0x3  }
0x96: {  	_ =	strace s3  }
0x97: {  	_ =	strace $0x8FFFFFFF  }
0x98: {  	s19 =	sld [smem:$0x3FDB];
	_ =	sdelay $0x1  }
0x99: {  	s4 =	simm.s32 $_scs_section_size  }
0x9a: {  	s5 =	simm.s32 $_size__tile_overlayer_lowered;
	s6 =	simm.s32 $_tile_overlayer_lowered  }
0x9b: {  	s22 =	simm.s32 $0x1BFF;
	s21 =	sshll.u32 s6, $0x1;
	s3 =	sadd.s32 s4, s19  }
0x9c: {  	s7 =	simm.s32 $0x0;
	s20 =	sshll.u32 s5, $0x1;
	s5 =	sadd.s32 s21, s3  }
0x9d: {  	[timem:s7], [sflag:s22] =	dma.local [hbm:s5], s20  }
0x9e: {  	_ =	swait.ge [sflag:s22], s20  }
0x9f: {  	s4 =	ssub.s32 $0x0, s20;
	[sflag:s22] =	ssyncset.done $0x0  }
0xa0: {  	[sflag:s22] =	ssyncadd.s32 s4;
	_ =	sdelay $0x1  }
0xa1: {  	s23 =	simm.s32 $0x1B8B  }
0xa2: {  	_ =	swait.ge [sflag:s23], $0x1  }
0xa3: {  	[sflag:s23] =	ssyncset.done $0x0  }
0xa4: {  	s25 =	simm.s32 $0x1B8E;
	s24 =	sld [smem:$0x3FFE];
	[sflag:s23] =	ssyncadd.s32 $0xFFFFFFFF  }
0xa5: {  	s26 =	simm.s32 $execute0_lowered;
	[smem:$0x3FD2] =	sst s25  }
0xa6: {  	s5 =	sshll.u32 s26, $0x1;
	_ =	strace $0x80000046;
	[dreg:$0x1] =	wrdreg $0xFFFFFFFF  }
0xa7: {  	s28 =	simm.s32 $_size_execute0_lowered;
	s3 =	sadd.s32 s3, s5;
	[dreg:$0x0] =	wrdreg $0x0  }
0xa8: {  	s5 =	sshll.u32 s28, $0x1;
	[dreg:$0x2] =	wrdreg s3  }
0xa9: {  	[dreg:$0x3] =	wrdreg s5  }
0xaa: {  	[dreg:$0x4] =	wrdreg $0xC0  }
0xab: {  	_ =	task [dreg:s7], $0x5FFFF  }
0xac: {  	[dreg:$0x1] =	wrdreg $0xFFFFFFFF  }
0xad: {  	[dreg:$0x0] =	wrdreg $0x60  }
0xae: {  	[dreg:$0x2] =	wrdreg s24  }
0xaf: {  	[dreg:$0x3] =	wrdreg s2  }
0xb0: {  	[dreg:$0x4] =	wrdreg $0x4E700  }
0xb1: {  	[dreg:$0x5] =	wrdreg $0x9  }
0xb2: {  	_ =	task.clear_ibuf [dreg:s7], $0x6FFFF;
	_ =	strace $0x90000046  }
0xb3: {  	s29 =	simm.s32 $0x9;
	_ =	strace $0x80000048  }
0xb4: {  	_ =	swait.ge [sflag:s29], $0x1  }
0xb5: {  	[sflag:s29] =	ssyncadd.s32 $0xFFFFFFFF  }
0xb6: {  	_ =	strace $0x90000048  }
0xb7: {  	_ =	sfence  }
0xb8: {  	s30 =	sld [smem:$0x0];
	_ =	sdelay $0x2  }
0xb9: {  	s31 =	sshll.u32 s1, $0xD;
	s1 =	sshrl.u32 s1, $0x2  }
0xba: {  	s3 =	sand.u32 $0x4000, s31;
	s1 =	sadd.s32 s1, s30  }
0xbb: {  	s0 =	sor.u32 s3, s0;
	s1 =	sshll.u32 s1, $0x11  }
0xbc: {  	s0 =	sor.u32 s1, s0  }
0xbd: {  	s0 =	sadd.s32 $0x8F2B, s0  }
0xbe: {  	[sflag:s0] =	ssyncadd.remote.s32 $0x1  }
0xbf: {  	_ =	sfence.sel $0xFFFF  }
0xc0: {  	[dreg:$0x0] =	wrdreg $0xFFFFFFFF;
	(pc) =	sbr.abs _section_cstart, $3  }
0xc1: {  	[dreg:$0x1] =	wrdreg $0xFFFFFFFF  }
0xc2: {  	_ =	task.clear_ibuf [dreg:s7], $0x2FFFF;
	_ =	strace $0x9FFFFFFF  }
0xc3: {  	(tm) =	ssettm $0x7FFFFFFF  }
tec
execute0_lowered:
.L_overlay_start_1:
0x0: {  	(tag) =	ssettag $0x1  }
0x1: {  	s14 =	rddreg [dreg:$0x0]  }
0x2: {  	s2 =	rddreg [dreg:$0x1]  }
0x3: {  	s3 =	rddreg [dreg:$0x2]  }
0x4: {  	s0 =	rddreg [dreg:$0x3];
	s1 =	stileid.u32  }
0x5: {  	s5 =	srdreg.scid;
	s4 =	simm.s32 $0x0;
	s16 =	simm.s32 $0x4E20  }
0x6: {  	s17 =	simm.s32 $0x2;
	s22 =	simm.s32 $0x1;
	s23 =	simm.s32 $0x0  }
0x7: {  	s6 =	smul.u32 $0x270, s1;
	s21 =	sand.u32 $0x1, s5;
	[smem:$0x7FF] =	sst s4  }
0x8: {  	s10 =	sadd.s32 $0x3000, s14;
	s9 =	smul.u32 $0x4E20, s1;
	p2 =	seq.s32 s1, $0xF  }
0x9: {  	s11 =	smul.u32 $0x9C4, s1;
	p3 =	sne.s32 s1, $0xF;
	s18 =	sshll.u32 s1, $0x6  }
0xa: {  	s5 =	ssub.s32 $0x2, s21;
	_ =	strace $0x80000047;
	p1 =	seq.s32 s21, $0x0  }
0xb: {  	p0 =	seq.s32 s21, $0x1;
	s18 =	sor.u32 $0x1C02, s18;
	p4 =	sne.s32 s21, $0x0  }
0xc: {  	s21 =	simm.s32 $0x50;
	s7 =	sshrl.u32 s6, $0x3;
	s8 =	sshrl.u32 s5, $0x1  }
0xd: {  	s13 =	sshrl.u32 s9, $0x3;
	s9 =	sadd.s32 s10, s11;
	p1 =	por !p1, !p2  }
0xe: {  	p2 =	por !p2, !p0;
	s12 =	sadd.s32 s7, s14;
	s15 =	ssub.s32 s5, s8  }
0xf: {  	s5 =	sadd.s32 s6, s3;
	s7 =	sadd.s32 $0x2700, s3;
	s8 =	sadd.s32 $0x16EE0, s14  }
0x10: {  	s10 =	sadd.s32 s10, s13;
	p1 =	por !p1, !p1;
	s13 =	sadd.s32 $0x174E0, s14  }
0x11: {  	p2 =	por !p2, !p2;
	s14 =	sadd.s32 $0x17AE0, s14;
	s6 =	sadd.s32 $0x16A00, s12  }
0x12: {  	s10 =	sadd.s32 $0x9C40, s10;
	s11 =	sadd.s32 $0x17000, s12;
	s12 =	sadd.s32 $0x17600, s12  }
0x13: {  	s15 =	smax.u32 s15, $0x1;
	s19 =	sshrl.u32 s5, $0x3;
	s20 =	sshrl.u32 @!p3 s7, $0x3  }
.LBB2_1:
0x14: {  	[tilespmem:s16], [sflag:$0x2] =	stream.linear.gather [hbm4b:s2+s4], $0x50, $0x38;
	[tilespmem:$0x50E8] =	vst v63  }
0x15: {  	_ =	swait.ge [sflag:s17], $0x50  }
0x16: {  	[sflag:s17] =	ssyncset.done $0x0  }
0x17: {  	[sflag:s17] =	ssyncadd.s32 $0xFFFFFFB0  }
0x18: {  	[spmem:s19], [sflag:s18] =	dma.local [hbm:s6], $0x4E  }
0x19: {  	_ =	swait.ge [sflag:s17], $0x4E  }
0x1a: {  	[sflag:s17] =	ssyncset.done $0x0  }
0x1b: {  	s24 =	simm.s32 @!p3 $0x2;
	[sflag:s17] =	ssyncadd.s32 $0xFFFFFFB2  }
0x1c: {  	[spmem:s20], [sflag:s18] =	dma.local @!p3 [hbm:s8], $0x2  }
0x1d: {  	_ =	swait.ge @!p3 [sflag:s24], $0x2  }
0x1e: {  	[sflag:s24] =	ssyncset.done @!p3 $0x0  }
0x1f: {  	[sflag:s24] =	ssyncadd.s32 @!p3 $0xFFFFFFFE;
	s24 =	simm.s32 @!p4 $0x0  }
0x20: {  	[tilespmem:s24], [sflag:$0x2] =	stream.linear.gather @!p4 [hbm4b:s9+s24], $0x4E20, $0x38;
	[tilespmem:$0x50E8] =	vst v63  }
0x21: {  	s24 =	simm.s32 @!p4 $0x2  }
0x22: {  	_ =	swait.ge @!p4 [sflag:s24], $0x4E20  }
0x23: {  	[sflag:s24] =	ssyncset.done @!p4 $0x0  }
0x24: {  	[sflag:s24] =	ssyncadd.s32 @!p4 $0xFFFFB1E0;
	s24 =	simm.s32 @p0 $0x0  }
0x25: {  	[tilespmem:s24], [sflag:$0x2] =	stream.linear.gather @p0 [hbm4b:s10+s24], $0x4E20, $0x38;
	[tilespmem:$0x50E8] =	vst v63  }
0x26: {  	s24 =	simm.s32 @p0 $0x2  }
0x27: {  	_ =	swait.ge @p0 [sflag:s24], $0x4E20  }
0x28: {  	[sflag:s24] =	ssyncset.done @p0 $0x0  }
0x29: {  	p5 =	por $0x1, $0x1;
	[sflag:s24] =	ssyncadd.s32 @p0 $0xFFFFB1E0  }
0x2a: {  	s26 =	simm.s32 @!p5 $0x1;
	[bflag:$0x0] =	sbarrier.arrive $0xFFFF  }
0x2b: {  	[spmem:s3] =	stream.indirect.scatter.add.f32 [tilespmem:s16], [sflag:$0x1], $0x1, s4, s21, $0xb8;
	[tilespmem:$0x50E8] =	vst v63  }
0x2c: {  	_ =	swait.ge @!p5 [sflag:s26], $0x50  }
0x2d: {  	s25 =	simm.s32 $0x0;
	s24 =	simm.s32 $0x1;
	[sflag:s26] =	ssyncset.done @!p5 $0x0  }
.LBB2_2:
0x2e: {  	[sflag:s26] =	ssyncadd.s32 @!p5 $0xFFFFFFB0  }
0x2f: {  	s25 =	sadd.s32 $0x50, s25;
	s26 =	smov.u32 s24;
	s24 =	sadd.s32 $0x1, s24  }
0x30: {  	p6 =	sne.s32 s24, $0xFA  }
0x31: {  	[spmem:s3] =	stream.indirect.scatter.add.f32 [tilespmem:s16], [sflag:$0x1], $0x1, s25, s21, $0xb8;
	[tilespmem:$0x50E8] =	vst v63  }
.Ltmp0:
0x32: {  	_ = 	snop;
	(pc) =	sbr.rel @p6 .LBB2_2-.Ltmp0, $4  }
0x33: {  	p5 =	slt.u32 s26, $0xA  }
0x34: {  	s26 =	simm.s32 @!p5 $0x1  }
0x35: {  	_ =	swait.ge @!p5 [sflag:s26], $0x50  }
0x36: {  	[sflag:s26] =	ssyncset.done @!p5 $0x0  }
0x37: {  	[sflag:s26] =	ssyncadd.s32 @!p5 $0xFFFFFFB0  }
0x38: {  	_ =	swait.ge [sflag:s22], $0x50  }
0x39: {  	[sflag:s22] =	ssyncset.done $0x0  }
0x3a: {  	[sflag:s22] =	ssyncadd.s32 $0xFFFFFFB0  }
0x3b: {  	_ =	swait.ge [sflag:s22], $0x50  }
0x3c: {  	[sflag:s22] =	ssyncset.done $0x0  }
0x3d: {  	[sflag:s22] =	ssyncadd.s32 $0xFFFFFFB0  }
0x3e: {  	_ =	swait.ge [sflag:s22], $0x50  }
0x3f: {  	[sflag:s22] =	ssyncset.done $0x0  }
0x40: {  	[sflag:s22] =	ssyncadd.s32 $0xFFFFFFB0  }
0x41: {  	_ =	swait.ge [sflag:s22], $0x50  }
0x42: {  	[sflag:s22] =	ssyncset.done $0x0  }
0x43: {  	[sflag:s22] =	ssyncadd.s32 $0xFFFFFFB0  }
0x44: {  	_ =	swait.ge [sflag:s22], $0x50  }
0x45: {  	[sflag:s22] =	ssyncset.done $0x0  }
0x46: {  	[sflag:s22] =	ssyncadd.s32 $0xFFFFFFB0  }
0x47: {  	_ =	swait.ge [sflag:s22], $0x50  }
0x48: {  	[sflag:s22] =	ssyncset.done $0x0  }
0x49: {  	[sflag:s22] =	ssyncadd.s32 $0xFFFFFFB0  }
0x4a: {  	_ =	swait.ge [sflag:s22], $0x50  }
0x4b: {  	[sflag:s22] =	ssyncset.done $0x0  }
0x4c: {  	[sflag:s22] =	ssyncadd.s32 $0xFFFFFFB0  }
0x4d: {  	_ =	swait.ge [sflag:s22], $0x50  }
0x4e: {  	[sflag:s22] =	ssyncset.done $0x0  }
0x4f: {  	[sflag:s22] =	ssyncadd.s32 $0xFFFFFFB0  }
0x50: {  	_ =	swait.ge [sflag:s22], $0x50  }
0x51: {  	[sflag:s22] =	ssyncset.done $0x0  }
0x52: {  	[sflag:s22] =	ssyncadd.s32 $0xFFFFFFB0  }
0x53: {  	_ =	swait.ge [sflag:s22], $0x50  }
0x54: {  	[sflag:s22] =	ssyncset.done $0x0  }
0x55: {  	[sflag:s22] =	ssyncadd.s32 $0xFFFFFFB0  }
0x56: {  	s24 =	sshrl.u32 @!p4 s5, $0x3;
	[bflag:$0x0] =	sbarrier.arrive $0xFFFF  }
0x57: {  	[hbm:s11], [sflag:s18] =	dma.local @!p4 [spmem:s24], $0x4E  }
0x58: {  	s24 =	simm.s32 @!p4 $0x2  }
0x59: {  	_ =	swait.ge @!p4 [sflag:s24], $0x4E  }
0x5a: {  	[sflag:s24] =	ssyncset.done @!p4 $0x0  }
0x5b: {  	[sflag:s24] =	ssyncadd.s32 @!p4 $0xFFFFFFB2;
	s24 =	sshrl.u32 @p0 s5, $0x3  }
0x5c: {  	[hbm:s12], [sflag:s18] =	dma.local @p0 [spmem:s24], $0x4E  }
0x5d: {  	s24 =	simm.s32 @p0 $0x2  }
0x5e: {  	_ =	swait.ge @p0 [sflag:s24], $0x4E  }
0x5f: {  	[sflag:s24] =	ssyncset.done @p0 $0x0  }
0x60: {  	[sflag:s24] =	ssyncadd.s32 @p0 $0xFFFFFFB2;
	s24 =	sshrl.u32 @p1 s7, $0x3  }
0x61: {  	[hbm:s13], [sflag:s18] =	dma.local @p1 [spmem:s24], $0x2  }
0x62: {  	s24 =	simm.s32 @p1 $0x2  }
0x63: {  	_ =	swait.ge @p1 [sflag:s24], $0x2  }
0x64: {  	s23 =	sadd.s32 $0x1, s23;
	[sflag:s24] =	ssyncset.done @p1 $0x0  }
0x65: {  	p5 =	sne.s32 s23, s15;
	[sflag:s24] =	ssyncadd.s32 @p1 $0xFFFFFFFE;
	s24 =	sshrl.u32 @p2 s7, $0x3  }
0x66: {  	[hbm:s14], [sflag:s18] =	dma.local @p2 [spmem:s24], $0x2  }
.Ltmp1:
0x67: {  	_ = 	snop;
	(pc) =	sbr.rel @p5 .LBB2_1-.Ltmp1, $4  }
0x68: {  	s24 =	simm.s32 @p2 $0x2  }
0x69: {  	_ =	swait.ge @p2 [sflag:s24], $0x2  }
0x6a: {  	[sflag:s24] =	ssyncset.done @p2 $0x0  }
0x6b: {  	[sflag:s24] =	ssyncadd.s32 @p2 $0xFFFFFFFE  }
0x6c: {  	_ =	sfence.sel $0x180000  }
0x6d: {  	[bflag:$0x0] =	sbarrier.arrive $0xFFFF  }
0x6e: {  	p0 =	sne.s32 s1, $0x0;
	_ =	strace $0x90000047  }
0x6f: {  	s0 =	sadd.s32 @!p0 $0x100000, s0;
	[bflag:$0x2] =	sbarrier.arrive $0xFFFF  }
0x70: {  	[sflag:s0] =	ssyncadd.tile.s32 @!p0 $0x1;
	_ =	shalt  }
.Lfunc_end2:
_tile_overlayer_lowered:
.L_overlay_start_2:
0x71: {  	(tag) =	ssettag $0x2  }
0x72: {  	s0 =	rddreg [dreg:$0x0];
	s2 =	stileid.u32  }
0x73: {  	s1 =	rddreg [dreg:$0x1];
	p0 =	sne.s32 s2, $0x0  }
0x74: {  	s3 =	rddreg [dreg:$0x2];
	[bflag:$0x3] =	sbarrier.arrive $0xFFFF;
	s2 =	simm.s32 @!p0 $0x1C02  }
0x75: {  	[timem:s3], [sflag:s2] =	dma.local @!p0 [hbm:s0], s1  }
0x76: {  	s0 =	simm.s32 @!p0 $0x2  }
0x77: {  	_ =	swait.ge @!p0 [sflag:s0], s1  }
0x78: {  	s1 =	ssub.s32 @!p0 $0x0, s1;
	[sflag:s0] =	ssyncset.done @!p0 $0x0  }
0x79: {  	[sflag:s0] =	ssyncadd.s32 @!p0 s1  }
0x7a: {  	[bflag:$0x3] =	sbarrier.arrive $0xFFFF  }
0x7b: {  	_ =	shalt  }

</sc_bundles>
